<compile_context>
chip_gen: v7x
topology: tpu7x:2x2x1
jax: 0.10.2.dev20260603
libtpu: 0.0.44.dev20260713+nightly
codegen_flags: <defaults>
</compile_context>

<pallas_src>
import functools

import jax
import jax.numpy as jnp
from jax import lax
from jax.experimental import pallas as pl
from jax.experimental.pallas import tpu as pltpu
from jax.experimental.pallas import tpu_sc as plsc

B = 16384
F = 32
NQ = 4


RBLK = 8192


def _relayout_body(x_ref, o_ref):
  eye = jnp.eye(F, dtype=jnp.float32)
  x = x_ref[...]
  parts = []
  for a in range(NQ):
    parts.append(jax.lax.dot_general(
        x[:, a * RBLK:(a + 1) * RBLK], eye, (((0,), (0,)), ((), ())),
        preferred_element_type=jnp.float32))
  o_ref[...] = jnp.concatenate(parts, axis=1)


def _relayout(table):
  n = table.shape[0]
  tt = table.T
  nblk = pl.cdiv(n, NQ * RBLK)
  return pl.pallas_call(
      _relayout_body,
      grid=(nblk,),
      in_specs=[pl.BlockSpec((F, NQ * RBLK), lambda i: (0, i))],
      out_specs=pl.BlockSpec((RBLK, NQ * F), lambda i: (i, 0)),
      out_shape=jax.ShapeDtypeStruct((nblk * RBLK, NQ * F), jnp.float32),
      compiler_params=pltpu.CompilerParams(vmem_limit_bytes=100 * 1024 * 1024),
  )(tt)


CHUNK = 256


@functools.lru_cache(maxsize=None)
def _make_sc_gather(nc: int, ns: int, b_per_w: int):
  mesh = plsc.VectorSubcoreMesh(core_axis_name="c", subcore_axis_name="s")

  @functools.partial(
      pl.kernel,
      mesh=mesh,
      out_type=tuple(
          jax.ShapeDtypeStruct((B, NQ * F), jnp.float32) for _ in range(4)),
      scratch_types=[
          pltpu.VMEM((b_per_w,), jnp.int32),
          pltpu.VMEM((b_per_w,), jnp.int32),
          pltpu.VMEM((b_per_w,), jnp.int32),
          pltpu.VMEM((CHUNK, NQ * F), jnp.float32),
          pltpu.VMEM((CHUNK, NQ * F), jnp.float32),
          pltpu.SemaphoreType.DMA,
          pltpu.SemaphoreType.DMA,
      ],
      compiler_params=pltpu.CompilerParams(use_tc_tiling_on_sc=False),
  )
  def sc_gather(urow_hbm, mrow_hbm, irow_hbm, gu_hbm, gi_hbm, mu_hbm, mi_hbm,
                gu_out, gi_out, mu_out, mi_out,
                urow_v, mrow_v, irow_v, buf0_v, buf1_v, sem0, sem1):
    wid = lax.axis_index("s") * nc + lax.axis_index("c")
    base = wid * b_per_w
    pltpu.sync_copy(urow_hbm.at[pl.ds(base, b_per_w)], urow_v)
    pltpu.sync_copy(mrow_hbm.at[pl.ds(base, b_per_w)], mrow_v)
    pltpu.sync_copy(irow_hbm.at[pl.ds(base, b_per_w)], irow_v)

    n_chunks = b_per_w // CHUNK
    work = []
    for table, row_v, out in ((gu_hbm, urow_v, gu_out),
                              (gi_hbm, irow_v, gi_out),
                              (mu_hbm, mrow_v, mu_out),
                              (mi_hbm, irow_v, mi_out)):
      for c in range(n_chunks):
        work.append((table, row_v, out, c))

    bufs = (buf0_v, buf1_v)
    sems = (sem0, sem1)
    copies = [None, None]
    for k, (table, row_v, out, c) in enumerate(work):
      slot = k % 2
      if copies[slot] is not None:
        pt, pr, pout, pc, pcopy = copies[slot]
        pcopy.wait()
        pltpu.sync_copy(bufs[slot], pout.at[pl.ds(base + pc * CHUNK, CHUNK)])
      idx_slice = row_v.at[pl.ds(c * CHUNK, CHUNK)]
      cp = pltpu.async_copy(table.at[idx_slice], bufs[slot], sems[slot])
      copies[slot] = (table, row_v, out, c, cp)
    for slot in range(2):
      if copies[slot] is not None:
        pt, pr, pout, pc, pcopy = copies[slot]
        pcopy.wait()
        pltpu.sync_copy(bufs[slot], pout.at[pl.ds(base + pc * CHUNK, CHUNK)])

  return sc_gather


def _pick(w128, quarter):
  out = None
  for a in range(NQ):
    part = jnp.where(quarter == a, w128[:, a * F:(a + 1) * F], 0.0)
    out = part if out is None else out + part
  return out


def _tc_mlp_body(uq_ref, mq_ref, iq_ref, gu_ref, gi_ref, mu_ref, mi_ref,
                 w1a_ref, w1b_ref, b1_ref, w2_ref, b2_ref,
                 wog_ref, wom_ref, bo_ref, out_ref):
  uq = uq_ref[...]
  mq = mq_ref[...]
  iq = iq_ref[...]
  gu = _pick(gu_ref[...], uq)
  gi = _pick(gi_ref[...], iq)
  mu = _pick(mu_ref[...], mq)
  mi = _pick(mi_ref[...], iq)
  gmf = gu * gi
  h = jnp.dot(mu, w1a_ref[...], preferred_element_type=jnp.float32)
  h = h + jnp.dot(mi, w1b_ref[...], preferred_element_type=jnp.float32)
  h = jnp.maximum(h + b1_ref[...], 0.0)
  h2 = jnp.dot(h, w2_ref[...], preferred_element_type=jnp.float32)
  h2 = jnp.maximum(h2 + b2_ref[...], 0.0)
  out = jnp.sum(gmf * wog_ref[...], axis=1)
  out = out + jnp.sum(h2 * wom_ref[...], axis=1)
  out_ref[...] = out + bo_ref[0]


def _tc_mlp(uq, mq, iq, gu, gi, mu, mi, W1a, W1b, b1, W2, b2, wo_g, wo_m, bo):
  blk = 2048
  grid = (B // blk,)
  idx_spec = pl.BlockSpec((blk, 1), lambda i: (i, 0))
  row_spec = pl.BlockSpec((blk, NQ * F), lambda i: (i, 0))
  full = lambda shape: pl.BlockSpec(shape, lambda i: tuple(0 for _ in shape))
  return pl.pallas_call(
      _tc_mlp_body,
      grid=grid,
      in_specs=[
          idx_spec, idx_spec, idx_spec,
          row_spec, row_spec, row_spec, row_spec,
          full(W1a.shape), full(W1b.shape), full(b1.shape),
          full(W2.shape), full(b2.shape),
          full(wo_g.shape), full(wo_m.shape), full(bo.shape),
      ],
      out_specs=pl.BlockSpec((blk,), lambda i: (i,)),
      out_shape=jax.ShapeDtypeStruct((B,), jnp.float32),
  )(uq, mq, iq, gu, gi, mu, mi, W1a, W1b, b1, W2, b2, wo_g, wo_m, bo)


@jax.jit
def _neumf(user_idx, item_idx, gmf_user_emb, gmf_item_emb,
           mlp_user_emb, mlp_item_emb, W1, b1, W2, b2, Wo, bo):
  info = plsc.get_sparse_core_info()
  nw = info.num_cores * info.num_subcores
  sc = _make_sc_gather(info.num_cores, info.num_subcores, B // nw)

  uidx = user_idx.astype(jnp.int32)
  iidx = item_idx.astype(jnp.int32)
  uq = (uidx >> 13) & 3
  urow = ((uidx >> 15) << 13) + (uidx & 8191)
  iq = (iidx >> 13) & 3
  irow = ((iidx >> 15) << 13) + (iidx & 8191)

  gu_t = _relayout(gmf_user_emb)
  gi_t = _relayout(gmf_item_emb)
  mu_t = _relayout(mlp_user_emb)
  mi_t = _relayout(mlp_item_emb)

  gu, gi, mu, mi = sc(urow, urow, irow, gu_t, gi_t, mu_t, mi_t)

  W1a, W1b = W1[:F], W1[F:]
  wo_g, wo_m = Wo[:F, 0], Wo[F:, 0]
  return _tc_mlp(uq.reshape(B, 1), uq.reshape(B, 1), iq.reshape(B, 1),
                 gu, gi, mu, mi, W1a, W1b, b1, W2, b2, wo_g, wo_m, bo)


def kernel(user_idx, item_idx, gmf_user_emb, gmf_item_emb,
           mlp_user_emb, mlp_item_emb, W1, b1, W2, b2, Wo, bo):
  return _neumf(user_idx, item_idx, gmf_user_emb, gmf_item_emb,
                mlp_user_emb, mlp_item_emb, W1, b1, W2, b2, Wo, bo)

# --- scband reference (transcript-rebuilt; emitter-appended) ---
"""Pipeline reference for scband-neu-mf-75436805587454 (READ-ONLY COPY).

The authoritative reference and input builder live on the scoring server;
editing this copy changes nothing except your own understanding.
"""

import jax, jax.numpy as jnp
import numpy as np


def setup_inputs(seed: int = 0) -> dict:
    key = jax.random.key(seed)
    ks = jax.random.split(key, 12)
    B = 16384
    NU = 1000000
    NI = 100000
    F = 32
    return {
        "user_idx": jax.random.randint(ks[0], (B,), 0, NU, dtype=jnp.int64) if jax.config.jax_enable_x64 else jax.random.randint(ks[0], (B,), 0, NU),
        "item_idx": jax.random.randint(ks[1], (B,), 0, NI),
        "gmf_user_emb": jax.random.normal(ks[2], (NU, F), dtype=jnp.float32) * 0.01,
        "gmf_item_emb": jax.random.normal(ks[3], (NI, F), dtype=jnp.float32) * 0.01,
        "mlp_user_emb": jax.random.normal(ks[4], (NU, F), dtype=jnp.float32) * 0.01,
        "mlp_item_emb": jax.random.normal(ks[5], (NI, F), dtype=jnp.float32) * 0.01,
        "W1": jax.random.normal(ks[6], (2 * F, 64), dtype=jnp.float32) * 0.1,
        "b1": jnp.zeros((64,), dtype=jnp.float32),
        "W2": jax.random.normal(ks[7], (64, 32), dtype=jnp.float32) * 0.1,
        "b2": jnp.zeros((32,), dtype=jnp.float32),
        "Wo": jax.random.normal(ks[8], (F + 32, 1), dtype=jnp.float32) * 0.1,
        "bo": jnp.zeros((1,), dtype=jnp.float32),
    }


def reference(user_idx, item_idx, gmf_user_emb, gmf_item_emb, mlp_user_emb, mlp_item_emb, W1, b1, W2, b2, Wo, bo):
    # GMF branch: elementwise product of embeddings (gather -> multiply)
    gmf_user = jnp.take(gmf_user_emb, user_idx, axis=0)
    gmf_item = jnp.take(gmf_item_emb, item_idx, axis=0)
    gmf_output = gmf_user * gmf_item
    # MLP branch: concat embeddings -> Linear/ReLU stack (dropout is identity at inference)
    mlp_user = jnp.take(mlp_user_emb, user_idx, axis=0)
    mlp_item = jnp.take(mlp_item_emb, item_idx, axis=0)
    mlp_concat = jnp.concatenate([mlp_user, mlp_item], axis=1)
    h = jax.nn.relu(mlp_concat @ W1 + b1)
    h = jax.nn.relu(h @ W2 + b2)
    combined = jnp.concatenate([gmf_output, h], axis=1)
    output = combined @ Wo + bo
    return output.squeeze(-1)

if __name__ == "__main__":
    import jax
    _d = setup_inputs()
    print(jax.jit(kernel)(*tuple(_d.values())))

</pallas_src>

<mosaic_0001>
#map = affine_map<(d0, d1) -> (0)>
#map1 = affine_map<(d0, d1) -> (0, 0)>
module attributes {stable_mosaic.version = 14 : i64} {
  func.func @sc_gather(%arg0: i32, %arg1: i32, %arg2: memref<16384xi32, #tpu.memory_space<hbm>>, %arg3: memref<16384xi32, #tpu.memory_space<hbm>>, %arg4: memref<16384xi32, #tpu.memory_space<hbm>>, %arg5: memref<253952x128xf32, #tpu.memory_space<hbm>>, %arg6: memref<32768x128xf32, #tpu.memory_space<hbm>>, %arg7: memref<253952x128xf32, #tpu.memory_space<hbm>>, %arg8: memref<32768x128xf32, #tpu.memory_space<hbm>>, %arg9: memref<16384x128xf32, #tpu.memory_space<hbm>>, %arg10: memref<16384x128xf32, #tpu.memory_space<hbm>>, %arg11: memref<16384x128xf32, #tpu.memory_space<hbm>>, %arg12: memref<16384x128xf32, #tpu.memory_space<hbm>>, %arg13: memref<512xi32, #tpu.memory_space<vmem>>, %arg14: memref<512xi32, #tpu.memory_space<vmem>>, %arg15: memref<512xi32, #tpu.memory_space<vmem>>, %arg16: memref<256x128xf32, #tpu.memory_space<vmem>>, %arg17: memref<256x128xf32, #tpu.memory_space<vmem>>, %arg18: memref<!tpu.dma_semaphore, #tpu.memory_space<semaphore_mem>>, %arg19: memref<!tpu.dma_semaphore, #tpu.memory_space<semaphore_mem>>) attributes {dimension_semantics = [#tpu.dimension_semantics<core_parallel>, #tpu.dimension_semantics<subcore_parallel>], iteration_bounds = array<i64: 2, 16>, scalar_prefetch = 0 : i64, scratch_operands = 7 : i64, tpu.core_type = #tpu.core_type<sc_vector_subcore>, window_params = [{transform_indices = #map}, {transform_indices = #map}, {transform_indices = #map}, {transform_indices = #map1}, {transform_indices = #map1}, {transform_indices = #map1}, {transform_indices = #map1}, {transform_indices = #map1}, {transform_indices = #map1}, {transform_indices = #map1}, {transform_indices = #map1}]} {
    %mul3A = arith.constant 2 : i32
    %mul3A_0 = arith.muli %arg1, %mul3A : i32
    %add3A = arith.addi %mul3A_0, %arg0 : i32
    %mul3A_1 = arith.constant 512 : i32
    %mul3A_2 = arith.muli %add3A, %mul3A_1 : i32
    "tpu.region"() ({
      %run_scoped3A = tpu.sem_alloc : memref<!tpu.dma_semaphore, #tpu.memory_space<semaphore_mem>>
      %dma_start3A_97 = tpu.memref_slice %arg2[%mul3A_2] : memref<16384xi32, #tpu.memory_space<hbm>> -> memref<512xi32, #tpu.memory_space<hbm>>
      %dma_start3A_98 = tpu.memref_slice %arg2[%mul3A_2] : memref<16384xi32, #tpu.memory_space<hbm>> -> memref<512xi32, #tpu.memory_space<hbm>>
      tpu.enqueue_dma source(%dma_start3A_98 : memref<512xi32, #tpu.memory_space<hbm>>) target(%arg13 : memref<512xi32, #tpu.memory_space<vmem>>) target_semaphore(%run_scoped3A : memref<!tpu.dma_semaphore, #tpu.memory_space<semaphore_mem>>)
      %dma_wait3A_99 = tpu.memref_slice %arg2[%mul3A_2] : memref<16384xi32, #tpu.memory_space<hbm>> -> memref<512xi32, #tpu.memory_space<hbm>>
      %dma_wait3A_100 = tpu.memref_slice %arg2[%mul3A_2] : memref<16384xi32, #tpu.memory_space<hbm>> -> memref<512xi32, #tpu.memory_space<hbm>>
      tpu.wait_dma2 semaphore(%run_scoped3A : memref<!tpu.dma_semaphore, #tpu.memory_space<semaphore_mem>>) src(%dma_wait3A_100 : memref<512xi32, #tpu.memory_space<hbm>>) dst(%arg13 : memref<512xi32, #tpu.memory_space<vmem>>)
      tpu.yield
    }) : () -> ()
    "tpu.region"() ({
      %run_scoped3A = tpu.sem_alloc : memref<!tpu.dma_semaphore, #tpu.memory_space<semaphore_mem>>
      %dma_start3A_97 = tpu.memref_slice %arg3[%mul3A_2] : memref<16384xi32, #tpu.memory_space<hbm>> -> memref<512xi32, #tpu.memory_space<hbm>>
      %dma_start3A_98 = tpu.memref_slice %arg3[%mul3A_2] : memref<16384xi32, #tpu.memory_space<hbm>> -> memref<512xi32, #tpu.memory_space<hbm>>
      tpu.enqueue_dma source(%dma_start3A_98 : memref<512xi32, #tpu.memory_space<hbm>>) target(%arg14 : memref<512xi32, #tpu.memory_space<vmem>>) target_semaphore(%run_scoped3A : memref<!tpu.dma_semaphore, #tpu.memory_space<semaphore_mem>>)
      %dma_wait3A_99 = tpu.memref_slice %arg3[%mul3A_2] : memref<16384xi32, #tpu.memory_space<hbm>> -> memref<512xi32, #tpu.memory_space<hbm>>
      %dma_wait3A_100 = tpu.memref_slice %arg3[%mul3A_2] : memref<16384xi32, #tpu.memory_space<hbm>> -> memref<512xi32, #tpu.memory_space<hbm>>
      tpu.wait_dma2 semaphore(%run_scoped3A : memref<!tpu.dma_semaphore, #tpu.memory_space<semaphore_mem>>) src(%dma_wait3A_100 : memref<512xi32, #tpu.memory_space<hbm>>) dst(%arg14 : memref<512xi32, #tpu.memory_space<vmem>>)
      tpu.yield
    }) : () -> ()
    "tpu.region"() ({
      %run_scoped3A = tpu.sem_alloc : memref<!tpu.dma_semaphore, #tpu.memory_space<semaphore_mem>>
      %dma_start3A_97 = tpu.memref_slice %arg4[%mul3A_2] : memref<16384xi32, #tpu.memory_space<hbm>> -> memref<512xi32, #tpu.memory_space<hbm>>
      %dma_start3A_98 = tpu.memref_slice %arg4[%mul3A_2] : memref<16384xi32, #tpu.memory_space<hbm>> -> memref<512xi32, #tpu.memory_space<hbm>>
      tpu.enqueue_dma source(%dma_start3A_98 : memref<512xi32, #tpu.memory_space<hbm>>) target(%arg15 : memref<512xi32, #tpu.memory_space<vmem>>) target_semaphore(%run_scoped3A : memref<!tpu.dma_semaphore, #tpu.memory_space<semaphore_mem>>)
      %dma_wait3A_99 = tpu.memref_slice %arg4[%mul3A_2] : memref<16384xi32, #tpu.memory_space<hbm>> -> memref<512xi32, #tpu.memory_space<hbm>>
      %dma_wait3A_100 = tpu.memref_slice %arg4[%mul3A_2] : memref<16384xi32, #tpu.memory_space<hbm>> -> memref<512xi32, #tpu.memory_space<hbm>>
      tpu.wait_dma2 semaphore(%run_scoped3A : memref<!tpu.dma_semaphore, #tpu.memory_space<semaphore_mem>>) src(%dma_wait3A_100 : memref<512xi32, #tpu.memory_space<hbm>>) dst(%arg15 : memref<512xi32, #tpu.memory_space<vmem>>)
      tpu.yield
    }) : () -> ()
    %dma_start3A = arith.constant 0 : i32
    %dma_start3A_3 = tpu.memref_slice %arg13[%dma_start3A] : memref<512xi32, #tpu.memory_space<vmem>> -> memref<256xi32, #tpu.memory_space<vmem>>
    %dma_start3A_4 = arith.constant 0 : i32
    %dma_start3A_5 = arith.constant 0 : i32
    %dma_start3A_6 = tpu.memref_slice %arg5[%dma_start3A_4, %dma_start3A_5] : memref<253952x128xf32, #tpu.memory_space<hbm>> -> memref<253952x128xf32, #tpu.memory_space<hbm>>
    tpu.enqueue_indirect_dma source(%dma_start3A_6 : memref<253952x128xf32, #tpu.memory_space<hbm>>) target(%arg16 : memref<256x128xf32, #tpu.memory_space<vmem>>) offsets(%dma_start3A_3 : memref<256xi32, #tpu.memory_space<vmem>>) semaphore(%arg18 : memref<!tpu.dma_semaphore, #tpu.memory_space<semaphore_mem>>)
    %dma_start3A_7 = arith.constant 256 : i32
    %dma_start3A_8 = tpu.memref_slice %arg13[%dma_start3A_7] : memref<512xi32, #tpu.memory_space<vmem>> -> memref<256xi32, #tpu.memory_space<vmem>>
    %dma_start3A_9 = arith.constant 0 : i32
    %dma_start3A_10 = arith.constant 0 : i32
    %dma_start3A_11 = tpu.memref_slice %arg5[%dma_start3A_9, %dma_start3A_10] : memref<253952x128xf32, #tpu.memory_space<hbm>> -> memref<253952x128xf32, #tpu.memory_space<hbm>>
    tpu.enqueue_indirect_dma source(%dma_start3A_11 : memref<253952x128xf32, #tpu.memory_space<hbm>>) target(%arg17 : memref<256x128xf32, #tpu.memory_space<vmem>>) offsets(%dma_start3A_8 : memref<256xi32, #tpu.memory_space<vmem>>) semaphore(%arg19 : memref<!tpu.dma_semaphore, #tpu.memory_space<semaphore_mem>>)
    %dma_wait3A = arith.constant 0 : i32
    %dma_wait3A_12 = tpu.memref_slice %arg13[%dma_wait3A] : memref<512xi32, #tpu.memory_space<vmem>> -> memref<256xi32, #tpu.memory_space<vmem>>
    %dma_wait3A_13 = arith.constant 0 : i32
    %dma_wait3A_14 = arith.constant 0 : i32
    %dma_wait3A_15 = tpu.memref_slice %arg5[%dma_wait3A_13, %dma_wait3A_14] : memref<253952x128xf32, #tpu.memory_space<hbm>> -> memref<253952x128xf32, #tpu.memory_space<hbm>>
    tpu.wait_indirect_dma semaphore(%arg18 : memref<!tpu.dma_semaphore, #tpu.memory_space<semaphore_mem>>) src(%dma_wait3A_15 : memref<253952x128xf32, #tpu.memory_space<hbm>>) dst(%arg16 : memref<256x128xf32, #tpu.memory_space<vmem>>)
    %add3A_16 = arith.constant 0 : i32
    %add3A_17 = arith.addi %mul3A_2, %add3A_16 : i32
    "tpu.region"() ({
      %run_scoped3A = tpu.sem_alloc : memref<!tpu.dma_semaphore, #tpu.memory_space<semaphore_mem>>
      %dma_start3A_97 = arith.constant 0 : i32
      %dma_start3A_98 = tpu.memref_slice %arg9[%add3A_17, %dma_start3A_97] : memref<16384x128xf32, #tpu.memory_space<hbm>> -> memref<256x128xf32, #tpu.memory_space<hbm>>
      %dma_start3A_99 = arith.constant 0 : i32
      %dma_start3A_100 = tpu.memref_slice %arg9[%add3A_17, %dma_start3A_99] : memref<16384x128xf32, #tpu.memory_space<hbm>> -> memref<256x128xf32, #tpu.memory_space<hbm>>
      tpu.enqueue_dma source(%arg16 : memref<256x128xf32, #tpu.memory_space<vmem>>) target(%dma_start3A_100 : memref<256x128xf32, #tpu.memory_space<hbm>>) target_semaphore(%run_scoped3A : memref<!tpu.dma_semaphore, #tpu.memory_space<semaphore_mem>>)
      %dma_wait3A_101 = arith.constant 0 : i32
      %dma_wait3A_102 = tpu.memref_slice %arg9[%add3A_17, %dma_wait3A_101] : memref<16384x128xf32, #tpu.memory_space<hbm>> -> memref<256x128xf32, #tpu.memory_space<hbm>>
      %dma_wait3A_103 = arith.constant 0 : i32
      %dma_wait3A_104 = tpu.memref_slice %arg9[%add3A_17, %dma_wait3A_103] : memref<16384x128xf32, #tpu.memory_space<hbm>> -> memref<256x128xf32, #tpu.memory_space<hbm>>
      tpu.wait_dma2 semaphore(%run_scoped3A : memref<!tpu.dma_semaphore, #tpu.memory_space<semaphore_mem>>) src(%arg16 : memref<256x128xf32, #tpu.memory_space<vmem>>) dst(%dma_wait3A_104 : memref<256x128xf32, #tpu.memory_space<hbm>>)
      tpu.yield
    }) : () -> ()
    %dma_start3A_18 = arith.constant 0 : i32
    %dma_start3A_19 = tpu.memref_slice %arg15[%dma_start3A_18] : memref<512xi32, #tpu.memory_space<vmem>> -> memref<256xi32, #tpu.memory_space<vmem>>
    %dma_start3A_20 = arith.constant 0 : i32
    %dma_start3A_21 = arith.constant 0 : i32
    %dma_start3A_22 = tpu.memref_slice %arg6[%dma_start3A_20, %dma_start3A_21] : memref<32768x128xf32, #tpu.memory_space<hbm>> -> memref<32768x128xf32, #tpu.memory_space<hbm>>
    tpu.enqueue_indirect_dma source(%dma_start3A_22 : memref<32768x128xf32, #tpu.memory_space<hbm>>) target(%arg16 : memref<256x128xf32, #tpu.memory_space<vmem>>) offsets(%dma_start3A_19 : memref<256xi32, #tpu.memory_space<vmem>>) semaphore(%arg18 : memref<!tpu.dma_semaphore, #tpu.memory_space<semaphore_mem>>)
    %dma_wait3A_23 = arith.constant 256 : i32
    %dma_wait3A_24 = tpu.memref_slice %arg13[%dma_wait3A_23] : memref<512xi32, #tpu.memory_space<vmem>> -> memref<256xi32, #tpu.memory_space<vmem>>
    %dma_wait3A_25 = arith.constant 0 : i32
    %dma_wait3A_26 = arith.constant 0 : i32
    %dma_wait3A_27 = tpu.memref_slice %arg5[%dma_wait3A_25, %dma_wait3A_26] : memref<253952x128xf32, #tpu.memory_space<hbm>> -> memref<253952x128xf32, #tpu.memory_space<hbm>>
    tpu.wait_indirect_dma semaphore(%arg19 : memref<!tpu.dma_semaphore, #tpu.memory_space<semaphore_mem>>) src(%dma_wait3A_27 : memref<253952x128xf32, #tpu.memory_space<hbm>>) dst(%arg17 : memref<256x128xf32, #tpu.memory_space<vmem>>)
    %add3A_28 = arith.constant 256 : i32
    %add3A_29 = arith.addi %mul3A_2, %add3A_28 : i32
    "tpu.region"() ({
      %run_scoped3A = tpu.sem_alloc : memref<!tpu.dma_semaphore, #tpu.memory_space<semaphore_mem>>
      %dma_start3A_97 = arith.constant 0 : i32
      %dma_start3A_98 = tpu.memref_slice %arg9[%add3A_29, %dma_start3A_97] : memref<16384x128xf32, #tpu.memory_space<hbm>> -> memref<256x128xf32, #tpu.memory_space<hbm>>
      %dma_start3A_99 = arith.constant 0 : i32
      %dma_start3A_100 = tpu.memref_slice %arg9[%add3A_29, %dma_start3A_99] : memref<16384x128xf32, #tpu.memory_space<hbm>> -> memref<256x128xf32, #tpu.memory_space<hbm>>
      tpu.enqueue_dma source(%arg17 : memref<256x128xf32, #tpu.memory_space<vmem>>) target(%dma_start3A_100 : memref<256x128xf32, #tpu.memory_space<hbm>>) target_semaphore(%run_scoped3A : memref<!tpu.dma_semaphore, #tpu.memory_space<semaphore_mem>>)
      %dma_wait3A_101 = arith.constant 0 : i32
      %dma_wait3A_102 = tpu.memref_slice %arg9[%add3A_29, %dma_wait3A_101] : memref<16384x128xf32, #tpu.memory_space<hbm>> -> memref<256x128xf32, #tpu.memory_space<hbm>>
      %dma_wait3A_103 = arith.constant 0 : i32
      %dma_wait3A_104 = tpu.memref_slice %arg9[%add3A_29, %dma_wait3A_103] : memref<16384x128xf32, #tpu.memory_space<hbm>> -> memref<256x128xf32, #tpu.memory_space<hbm>>
      tpu.wait_dma2 semaphore(%run_scoped3A : memref<!tpu.dma_semaphore, #tpu.memory_space<semaphore_mem>>) src(%arg17 : memref<256x128xf32, #tpu.memory_space<vmem>>) dst(%dma_wait3A_104 : memref<256x128xf32, #tpu.memory_space<hbm>>)
      tpu.yield
    }) : () -> ()
    %dma_start3A_30 = arith.constant 256 : i32
    %dma_start3A_31 = tpu.memref_slice %arg15[%dma_start3A_30] : memref<512xi32, #tpu.memory_space<vmem>> -> memref<256xi32, #tpu.memory_space<vmem>>
    %dma_start3A_32 = arith.constant 0 : i32
    %dma_start3A_33 = arith.constant 0 : i32
    %dma_start3A_34 = tpu.memref_slice %arg6[%dma_start3A_32, %dma_start3A_33] : memref<32768x128xf32, #tpu.memory_space<hbm>> -> memref<32768x128xf32, #tpu.memory_space<hbm>>
    tpu.enqueue_indirect_dma source(%dma_start3A_34 : memref<32768x128xf32, #tpu.memory_space<hbm>>) target(%arg17 : memref<256x128xf32, #tpu.memory_space<vmem>>) offsets(%dma_start3A_31 : memref<256xi32, #tpu.memory_space<vmem>>) semaphore(%arg19 : memref<!tpu.dma_semaphore, #tpu.memory_space<semaphore_mem>>)
    %dma_wait3A_35 = arith.constant 0 : i32
    %dma_wait3A_36 = tpu.memref_slice %arg15[%dma_wait3A_35] : memref<512xi32, #tpu.memory_space<vmem>> -> memref<256xi32, #tpu.memory_space<vmem>>
    %dma_wait3A_37 = arith.constant 0 : i32
    %dma_wait3A_38 = arith.constant 0 : i32
    %dma_wait3A_39 = tpu.memref_slice %arg6[%dma_wait3A_37, %dma_wait3A_38] : memref<32768x128xf32, #tpu.memory_space<hbm>> -> memref<32768x128xf32, #tpu.memory_space<hbm>>
    tpu.wait_indirect_dma semaphore(%arg18 : memref<!tpu.dma_semaphore, #tpu.memory_space<semaphore_mem>>) src(%dma_wait3A_39 : memref<32768x128xf32, #tpu.memory_space<hbm>>) dst(%arg16 : memref<256x128xf32, #tpu.memory_space<vmem>>)
    %add3A_40 = arith.constant 0 : i32
    %add3A_41 = arith.addi %mul3A_2, %add3A_40 : i32
    "tpu.region"() ({
      %run_scoped3A = tpu.sem_alloc : memref<!tpu.dma_semaphore, #tpu.memory_space<semaphore_mem>>
      %dma_start3A_97 = arith.constant 0 : i32
      %dma_start3A_98 = tpu.memref_slice %arg10[%add3A_41, %dma_start3A_97] : memref<16384x128xf32, #tpu.memory_space<hbm>> -> memref<256x128xf32, #tpu.memory_space<hbm>>
      %dma_start3A_99 = arith.constant 0 : i32
      %dma_start3A_100 = tpu.memref_slice %arg10[%add3A_41, %dma_start3A_99] : memref<16384x128xf32, #tpu.memory_space<hbm>> -> memref<256x128xf32, #tpu.memory_space<hbm>>
      tpu.enqueue_dma source(%arg16 : memref<256x128xf32, #tpu.memory_space<vmem>>) target(%dma_start3A_100 : memref<256x128xf32, #tpu.memory_space<hbm>>) target_semaphore(%run_scoped3A : memref<!tpu.dma_semaphore, #tpu.memory_space<semaphore_mem>>)
      %dma_wait3A_101 = arith.constant 0 : i32
      %dma_wait3A_102 = tpu.memref_slice %arg10[%add3A_41, %dma_wait3A_101] : memref<16384x128xf32, #tpu.memory_space<hbm>> -> memref<256x128xf32, #tpu.memory_space<hbm>>
      %dma_wait3A_103 = arith.constant 0 : i32
      %dma_wait3A_104 = tpu.memref_slice %arg10[%add3A_41, %dma_wait3A_103] : memref<16384x128xf32, #tpu.memory_space<hbm>> -> memref<256x128xf32, #tpu.memory_space<hbm>>
      tpu.wait_dma2 semaphore(%run_scoped3A : memref<!tpu.dma_semaphore, #tpu.memory_space<semaphore_mem>>) src(%arg16 : memref<256x128xf32, #tpu.memory_space<vmem>>) dst(%dma_wait3A_104 : memref<256x128xf32, #tpu.memory_space<hbm>>)
      tpu.yield
    }) : () -> ()
    %dma_start3A_42 = arith.constant 0 : i32
    %dma_start3A_43 = tpu.memref_slice %arg14[%dma_start3A_42] : memref<512xi32, #tpu.memory_space<vmem>> -> memref<256xi32, #tpu.memory_space<vmem>>
    %dma_start3A_44 = arith.constant 0 : i32
    %dma_start3A_45 = arith.constant 0 : i32
    %dma_start3A_46 = tpu.memref_slice %arg7[%dma_start3A_44, %dma_start3A_45] : memref<253952x128xf32, #tpu.memory_space<hbm>> -> memref<253952x128xf32, #tpu.memory_space<hbm>>
    tpu.enqueue_indirect_dma source(%dma_start3A_46 : memref<253952x128xf32, #tpu.memory_space<hbm>>) target(%arg16 : memref<256x128xf32, #tpu.memory_space<vmem>>) offsets(%dma_start3A_43 : memref<256xi32, #tpu.memory_space<vmem>>) semaphore(%arg18 : memref<!tpu.dma_semaphore, #tpu.memory_space<semaphore_mem>>)
    %dma_wait3A_47 = arith.constant 256 : i32
    %dma_wait3A_48 = tpu.memref_slice %arg15[%dma_wait3A_47] : memref<512xi32, #tpu.memory_space<vmem>> -> memref<256xi32, #tpu.memory_space<vmem>>
    %dma_wait3A_49 = arith.constant 0 : i32
    %dma_wait3A_50 = arith.constant 0 : i32
    %dma_wait3A_51 = tpu.memref_slice %arg6[%dma_wait3A_49, %dma_wait3A_50] : memref<32768x128xf32, #tpu.memory_space<hbm>> -> memref<32768x128xf32, #tpu.memory_space<hbm>>
    tpu.wait_indirect_dma semaphore(%arg19 : memref<!tpu.dma_semaphore, #tpu.memory_space<semaphore_mem>>) src(%dma_wait3A_51 : memref<32768x128xf32, #tpu.memory_space<hbm>>) dst(%arg17 : memref<256x128xf32, #tpu.memory_space<vmem>>)
    %add3A_52 = arith.constant 256 : i32
    %add3A_53 = arith.addi %mul3A_2, %add3A_52 : i32
    "tpu.region"() ({
      %run_scoped3A = tpu.sem_alloc : memref<!tpu.dma_semaphore, #tpu.memory_space<semaphore_mem>>
      %dma_start3A_97 = arith.constant 0 : i32
      %dma_start3A_98 = tpu.memref_slice %arg10[%add3A_53, %dma_start3A_97] : memref<16384x128xf32, #tpu.memory_space<hbm>> -> memref<256x128xf32, #tpu.memory_space<hbm>>
      %dma_start3A_99 = arith.constant 0 : i32
      %dma_start3A_100 = tpu.memref_slice %arg10[%add3A_53, %dma_start3A_99] : memref<16384x128xf32, #tpu.memory_space<hbm>> -> memref<256x128xf32, #tpu.memory_space<hbm>>
      tpu.enqueue_dma source(%arg17 : memref<256x128xf32, #tpu.memory_space<vmem>>) target(%dma_start3A_100 : memref<256x128xf32, #tpu.memory_space<hbm>>) target_semaphore(%run_scoped3A : memref<!tpu.dma_semaphore, #tpu.memory_space<semaphore_mem>>)
      %dma_wait3A_101 = arith.constant 0 : i32
      %dma_wait3A_102 = tpu.memref_slice %arg10[%add3A_53, %dma_wait3A_101] : memref<16384x128xf32, #tpu.memory_space<hbm>> -> memref<256x128xf32, #tpu.memory_space<hbm>>
      %dma_wait3A_103 = arith.constant 0 : i32
      %dma_wait3A_104 = tpu.memref_slice %arg10[%add3A_53, %dma_wait3A_103] : memref<16384x128xf32, #tpu.memory_space<hbm>> -> memref<256x128xf32, #tpu.memory_space<hbm>>
      tpu.wait_dma2 semaphore(%run_scoped3A : memref<!tpu.dma_semaphore, #tpu.memory_space<semaphore_mem>>) src(%arg17 : memref<256x128xf32, #tpu.memory_space<vmem>>) dst(%dma_wait3A_104 : memref<256x128xf32, #tpu.memory_space<hbm>>)
      tpu.yield
    }) : () -> ()
    %dma_start3A_54 = arith.constant 256 : i32
    %dma_start3A_55 = tpu.memref_slice %arg14[%dma_start3A_54] : memref<512xi32, #tpu.memory_space<vmem>> -> memref<256xi32, #tpu.memory_space<vmem>>
    %dma_start3A_56 = arith.constant 0 : i32
    %dma_start3A_57 = arith.constant 0 : i32
    %dma_start3A_58 = tpu.memref_slice %arg7[%dma_start3A_56, %dma_start3A_57] : memref<253952x128xf32, #tpu.memory_space<hbm>> -> memref<253952x128xf32, #tpu.memory_space<hbm>>
    tpu.enqueue_indirect_dma source(%dma_start3A_58 : memref<253952x128xf32, #tpu.memory_space<hbm>>) target(%arg17 : memref<256x128xf32, #tpu.memory_space<vmem>>) offsets(%dma_start3A_55 : memref<256xi32, #tpu.memory_space<vmem>>) semaphore(%arg19 : memref<!tpu.dma_semaphore, #tpu.memory_space<semaphore_mem>>)
    %dma_wait3A_59 = arith.constant 0 : i32
    %dma_wait3A_60 = tpu.memref_slice %arg14[%dma_wait3A_59] : memref<512xi32, #tpu.memory_space<vmem>> -> memref<256xi32, #tpu.memory_space<vmem>>
    %dma_wait3A_61 = arith.constant 0 : i32
    %dma_wait3A_62 = arith.constant 0 : i32
    %dma_wait3A_63 = tpu.memref_slice %arg7[%dma_wait3A_61, %dma_wait3A_62] : memref<253952x128xf32, #tpu.memory_space<hbm>> -> memref<253952x128xf32, #tpu.memory_space<hbm>>
    tpu.wait_indirect_dma semaphore(%arg18 : memref<!tpu.dma_semaphore, #tpu.memory_space<semaphore_mem>>) src(%dma_wait3A_63 : memref<253952x128xf32, #tpu.memory_space<hbm>>) dst(%arg16 : memref<256x128xf32, #tpu.memory_space<vmem>>)
    %add3A_64 = arith.constant 0 : i32
    %add3A_65 = arith.addi %mul3A_2, %add3A_64 : i32
    "tpu.region"() ({
      %run_scoped3A = tpu.sem_alloc : memref<!tpu.dma_semaphore, #tpu.memory_space<semaphore_mem>>
      %dma_start3A_97 = arith.constant 0 : i32
      %dma_start3A_98 = tpu.memref_slice %arg11[%add3A_65, %dma_start3A_97] : memref<16384x128xf32, #tpu.memory_space<hbm>> -> memref<256x128xf32, #tpu.memory_space<hbm>>
      %dma_start3A_99 = arith.constant 0 : i32
      %dma_start3A_100 = tpu.memref_slice %arg11[%add3A_65, %dma_start3A_99] : memref<16384x128xf32, #tpu.memory_space<hbm>> -> memref<256x128xf32, #tpu.memory_space<hbm>>
      tpu.enqueue_dma source(%arg16 : memref<256x128xf32, #tpu.memory_space<vmem>>) target(%dma_start3A_100 : memref<256x128xf32, #tpu.memory_space<hbm>>) target_semaphore(%run_scoped3A : memref<!tpu.dma_semaphore, #tpu.memory_space<semaphore_mem>>)
      %dma_wait3A_101 = arith.constant 0 : i32
      %dma_wait3A_102 = tpu.memref_slice %arg11[%add3A_65, %dma_wait3A_101] : memref<16384x128xf32, #tpu.memory_space<hbm>> -> memref<256x128xf32, #tpu.memory_space<hbm>>
      %dma_wait3A_103 = arith.constant 0 : i32
      %dma_wait3A_104 = tpu.memref_slice %arg11[%add3A_65, %dma_wait3A_103] : memref<16384x128xf32, #tpu.memory_space<hbm>> -> memref<256x128xf32, #tpu.memory_space<hbm>>
      tpu.wait_dma2 semaphore(%run_scoped3A : memref<!tpu.dma_semaphore, #tpu.memory_space<semaphore_mem>>) src(%arg16 : memref<256x128xf32, #tpu.memory_space<vmem>>) dst(%dma_wait3A_104 : memref<256x128xf32, #tpu.memory_space<hbm>>)
      tpu.yield
    }) : () -> ()
    %dma_start3A_66 = arith.constant 0 : i32
    %dma_start3A_67 = tpu.memref_slice %arg15[%dma_start3A_66] : memref<512xi32, #tpu.memory_space<vmem>> -> memref<256xi32, #tpu.memory_space<vmem>>
    %dma_start3A_68 = arith.constant 0 : i32
    %dma_start3A_69 = arith.constant 0 : i32
    %dma_start3A_70 = tpu.memref_slice %arg8[%dma_start3A_68, %dma_start3A_69] : memref<32768x128xf32, #tpu.memory_space<hbm>> -> memref<32768x128xf32, #tpu.memory_space<hbm>>
    tpu.enqueue_indirect_dma source(%dma_start3A_70 : memref<32768x128xf32, #tpu.memory_space<hbm>>) target(%arg16 : memref<256x128xf32, #tpu.memory_space<vmem>>) offsets(%dma_start3A_67 : memref<256xi32, #tpu.memory_space<vmem>>) semaphore(%arg18 : memref<!tpu.dma_semaphore, #tpu.memory_space<semaphore_mem>>)
    %dma_wait3A_71 = arith.constant 256 : i32
    %dma_wait3A_72 = tpu.memref_slice %arg14[%dma_wait3A_71] : memref<512xi32, #tpu.memory_space<vmem>> -> memref<256xi32, #tpu.memory_space<vmem>>
    %dma_wait3A_73 = arith.constant 0 : i32
    %dma_wait3A_74 = arith.constant 0 : i32
    %dma_wait3A_75 = tpu.memref_slice %arg7[%dma_wait3A_73, %dma_wait3A_74] : memref<253952x128xf32, #tpu.memory_space<hbm>> -> memref<253952x128xf32, #tpu.memory_space<hbm>>
    tpu.wait_indirect_dma semaphore(%arg19 : memref<!tpu.dma_semaphore, #tpu.memory_space<semaphore_mem>>) src(%dma_wait3A_75 : memref<253952x128xf32, #tpu.memory_space<hbm>>) dst(%arg17 : memref<256x128xf32, #tpu.memory_space<vmem>>)
    %add3A_76 = arith.constant 256 : i32
    %add3A_77 = arith.addi %mul3A_2, %add3A_76 : i32
    "tpu.region"() ({
      %run_scoped3A = tpu.sem_alloc : memref<!tpu.dma_semaphore, #tpu.memory_space<semaphore_mem>>
      %dma_start3A_97 = arith.constant 0 : i32
      %dma_start3A_98 = tpu.memref_slice %arg11[%add3A_77, %dma_start3A_97] : memref<16384x128xf32, #tpu.memory_space<hbm>> -> memref<256x128xf32, #tpu.memory_space<hbm>>
      %dma_start3A_99 = arith.constant 0 : i32
      %dma_start3A_100 = tpu.memref_slice %arg11[%add3A_77, %dma_start3A_99] : memref<16384x128xf32, #tpu.memory_space<hbm>> -> memref<256x128xf32, #tpu.memory_space<hbm>>
      tpu.enqueue_dma source(%arg17 : memref<256x128xf32, #tpu.memory_space<vmem>>) target(%dma_start3A_100 : memref<256x128xf32, #tpu.memory_space<hbm>>) target_semaphore(%run_scoped3A : memref<!tpu.dma_semaphore, #tpu.memory_space<semaphore_mem>>)
      %dma_wait3A_101 = arith.constant 0 : i32
      %dma_wait3A_102 = tpu.memref_slice %arg11[%add3A_77, %dma_wait3A_101] : memref<16384x128xf32, #tpu.memory_space<hbm>> -> memref<256x128xf32, #tpu.memory_space<hbm>>
      %dma_wait3A_103 = arith.constant 0 : i32
      %dma_wait3A_104 = tpu.memref_slice %arg11[%add3A_77, %dma_wait3A_103] : memref<16384x128xf32, #tpu.memory_space<hbm>> -> memref<256x128xf32, #tpu.memory_space<hbm>>
      tpu.wait_dma2 semaphore(%run_scoped3A : memref<!tpu.dma_semaphore, #tpu.memory_space<semaphore_mem>>) src(%arg17 : memref<256x128xf32, #tpu.memory_space<vmem>>) dst(%dma_wait3A_104 : memref<256x128xf32, #tpu.memory_space<hbm>>)
      tpu.yield
    }) : () -> ()
    %dma_start3A_78 = arith.constant 256 : i32
    %dma_start3A_79 = tpu.memref_slice %arg15[%dma_start3A_78] : memref<512xi32, #tpu.memory_space<vmem>> -> memref<256xi32, #tpu.memory_space<vmem>>
    %dma_start3A_80 = arith.constant 0 : i32
    %dma_start3A_81 = arith.constant 0 : i32
    %dma_start3A_82 = tpu.memref_slice %arg8[%dma_start3A_80, %dma_start3A_81] : memref<32768x128xf32, #tpu.memory_space<hbm>> -> memref<32768x128xf32, #tpu.memory_space<hbm>>
    tpu.enqueue_indirect_dma source(%dma_start3A_82 : memref<32768x128xf32, #tpu.memory_space<hbm>>) target(%arg17 : memref<256x128xf32, #tpu.memory_space<vmem>>) offsets(%dma_start3A_79 : memref<256xi32, #tpu.memory_space<vmem>>) semaphore(%arg19 : memref<!tpu.dma_semaphore, #tpu.memory_space<semaphore_mem>>)
    %dma_wait3A_83 = arith.constant 0 : i32
    %dma_wait3A_84 = tpu.memref_slice %arg15[%dma_wait3A_83] : memref<512xi32, #tpu.memory_space<vmem>> -> memref<256xi32, #tpu.memory_space<vmem>>
    %dma_wait3A_85 = arith.constant 0 : i32
    %dma_wait3A_86 = arith.constant 0 : i32
    %dma_wait3A_87 = tpu.memref_slice %arg8[%dma_wait3A_85, %dma_wait3A_86] : memref<32768x128xf32, #tpu.memory_space<hbm>> -> memref<32768x128xf32, #tpu.memory_space<hbm>>
    tpu.wait_indirect_dma semaphore(%arg18 : memref<!tpu.dma_semaphore, #tpu.memory_space<semaphore_mem>>) src(%dma_wait3A_87 : memref<32768x128xf32, #tpu.memory_space<hbm>>) dst(%arg16 : memref<256x128xf32, #tpu.memory_space<vmem>>)
    %add3A_88 = arith.constant 0 : i32
    %add3A_89 = arith.addi %mul3A_2, %add3A_88 : i32
    "tpu.region"() ({
      %run_scoped3A = tpu.sem_alloc : memref<!tpu.dma_semaphore, #tpu.memory_space<semaphore_mem>>
      %dma_start3A_97 = arith.constant 0 : i32
      %dma_start3A_98 = tpu.memref_slice %arg12[%add3A_89, %dma_start3A_97] : memref<16384x128xf32, #tpu.memory_space<hbm>> -> memref<256x128xf32, #tpu.memory_space<hbm>>
      %dma_start3A_99 = arith.constant 0 : i32
      %dma_start3A_100 = tpu.memref_slice %arg12[%add3A_89, %dma_start3A_99] : memref<16384x128xf32, #tpu.memory_space<hbm>> -> memref<256x128xf32, #tpu.memory_space<hbm>>
      tpu.enqueue_dma source(%arg16 : memref<256x128xf32, #tpu.memory_space<vmem>>) target(%dma_start3A_100 : memref<256x128xf32, #tpu.memory_space<hbm>>) target_semaphore(%run_scoped3A : memref<!tpu.dma_semaphore, #tpu.memory_space<semaphore_mem>>)
      %dma_wait3A_101 = arith.constant 0 : i32
      %dma_wait3A_102 = tpu.memref_slice %arg12[%add3A_89, %dma_wait3A_101] : memref<16384x128xf32, #tpu.memory_space<hbm>> -> memref<256x128xf32, #tpu.memory_space<hbm>>
      %dma_wait3A_103 = arith.constant 0 : i32
      %dma_wait3A_104 = tpu.memref_slice %arg12[%add3A_89, %dma_wait3A_103] : memref<16384x128xf32, #tpu.memory_space<hbm>> -> memref<256x128xf32, #tpu.memory_space<hbm>>
      tpu.wait_dma2 semaphore(%run_scoped3A : memref<!tpu.dma_semaphore, #tpu.memory_space<semaphore_mem>>) src(%arg16 : memref<256x128xf32, #tpu.memory_space<vmem>>) dst(%dma_wait3A_104 : memref<256x128xf32, #tpu.memory_space<hbm>>)
      tpu.yield
    }) : () -> ()
    %dma_wait3A_90 = arith.constant 256 : i32
    %dma_wait3A_91 = tpu.memref_slice %arg15[%dma_wait3A_90] : memref<512xi32, #tpu.memory_space<vmem>> -> memref<256xi32, #tpu.memory_space<vmem>>
    %dma_wait3A_92 = arith.constant 0 : i32
    %dma_wait3A_93 = arith.constant 0 : i32
    %dma_wait3A_94 = tpu.memref_slice %arg8[%dma_wait3A_92, %dma_wait3A_93] : memref<32768x128xf32, #tpu.memory_space<hbm>> -> memref<32768x128xf32, #tpu.memory_space<hbm>>
    tpu.wait_indirect_dma semaphore(%arg19 : memref<!tpu.dma_semaphore, #tpu.memory_space<semaphore_mem>>) src(%dma_wait3A_94 : memref<32768x128xf32, #tpu.memory_space<hbm>>) dst(%arg17 : memref<256x128xf32, #tpu.memory_space<vmem>>)
    %add3A_95 = arith.constant 256 : i32
    %add3A_96 = arith.addi %mul3A_2, %add3A_95 : i32
    "tpu.region"() ({
      %run_scoped3A = tpu.sem_alloc : memref<!tpu.dma_semaphore, #tpu.memory_space<semaphore_mem>>
      %dma_start3A_97 = arith.constant 0 : i32
      %dma_start3A_98 = tpu.memref_slice %arg12[%add3A_96, %dma_start3A_97] : memref<16384x128xf32, #tpu.memory_space<hbm>> -> memref<256x128xf32, #tpu.memory_space<hbm>>
      %dma_start3A_99 = arith.constant 0 : i32
      %dma_start3A_100 = tpu.memref_slice %arg12[%add3A_96, %dma_start3A_99] : memref<16384x128xf32, #tpu.memory_space<hbm>> -> memref<256x128xf32, #tpu.memory_space<hbm>>
      tpu.enqueue_dma source(%arg17 : memref<256x128xf32, #tpu.memory_space<vmem>>) target(%dma_start3A_100 : memref<256x128xf32, #tpu.memory_space<hbm>>) target_semaphore(%run_scoped3A : memref<!tpu.dma_semaphore, #tpu.memory_space<semaphore_mem>>)
      %dma_wait3A_101 = arith.constant 0 : i32
      %dma_wait3A_102 = tpu.memref_slice %arg12[%add3A_96, %dma_wait3A_101] : memref<16384x128xf32, #tpu.memory_space<hbm>> -> memref<256x128xf32, #tpu.memory_space<hbm>>
      %dma_wait3A_103 = arith.constant 0 : i32
      %dma_wait3A_104 = tpu.memref_slice %arg12[%add3A_96, %dma_wait3A_103] : memref<16384x128xf32, #tpu.memory_space<hbm>> -> memref<256x128xf32, #tpu.memory_space<hbm>>
      tpu.wait_dma2 semaphore(%run_scoped3A : memref<!tpu.dma_semaphore, #tpu.memory_space<semaphore_mem>>) src(%arg17 : memref<256x128xf32, #tpu.memory_space<vmem>>) dst(%dma_wait3A_104 : memref<256x128xf32, #tpu.memory_space<hbm>>)
      tpu.yield
    }) : () -> ()
    return
  }
}

module attributes {stable_mosaic.version = 14 : i64} {
  func.func @_relayout_body(%arg0: i32, %arg1: memref<32x32768xf32, #tpu.memory_space<vmem>>, %arg2: memref<8192x128xf32, #tpu.memory_space<vmem>>) attributes {dimension_semantics = [#tpu.dimension_semantics<arbitrary>], iteration_bounds = array<i64: 31>, scalar_prefetch = 0 : i64, scratch_operands = 0 : i64, tpu.core_type = #tpu.core_type<tc>, window_params = [{transform_indices = @transform_0, window_bounds = array<i64: 32, 32768>}, {transform_indices = @transform_1, window_bounds = array<i64: 8192, 128>}]} {
    %iota3A = tpu.iota {dimensions = array<i32: 0>} : vector<32x32xi32>
    %iota3A_0 = tpu.iota {dimensions = array<i32: 1>} : vector<32x32xi32>
    %add3A = arith.constant 0 : i32
    %add3A_1 = vector.broadcast %add3A : i32 to vector<32x32xi32>
    %add3A_2 = arith.addi %iota3A, %add3A_1 : vector<32x32xi32>
    %eq3A = arith.cmpi eq, %add3A_2, %iota3A_0 : vector<32x32xi32>
    %convert_element_type3A = arith.extui %eq3A : vector<32x32xi1> to vector<32x32xi32>
    %convert_element_type3A_3 = arith.sitofp %convert_element_type3A : vector<32x32xi32> to vector<32x32xf32>
    %get3A = arith.constant 0 : index
    %get3A_4 = arith.constant 0 : index
    %get3A_5 = vector.load %arg1[%get3A, %get3A_4] : memref<32x32768xf32, #tpu.memory_space<vmem>>, vector<32x32768xf32>
    %slice3A = vector.extract_strided_slice %get3A_5 {offsets = [0, 0], sizes = [32, 8192], strides = [1, 1]} : vector<32x32768xf32> to vector<32x8192xf32>
    %dot_general3A = arith.constant dense<0.000000e+00> : vector<8192x32xf32>
    %dot_general3A_6 = tpu.matmul %slice3A, %convert_element_type3A_3, %dot_general3A {dimension_numbers = #tpu.dot_dimension_numbers<[0], [0], [1], [1], [0, 1, 1, 1], [], []>, transpose_lhs_hint = false} : vector<32x8192xf32>, vector<32x32xf32>, vector<8192x32xf32> -> vector<8192x32xf32>
    %slice3A_7 = vector.extract_strided_slice %get3A_5 {offsets = [0, 8192], sizes = [32, 8192], strides = [1, 1]} : vector<32x32768xf32> to vector<32x8192xf32>
    %dot_general3A_8 = arith.constant dense<0.000000e+00> : vector<8192x32xf32>
    %dot_general3A_9 = tpu.matmul %slice3A_7, %convert_element_type3A_3, %dot_general3A_8 {dimension_numbers = #tpu.dot_dimension_numbers<[0], [0], [1], [1], [0, 1, 1, 1], [], []>, transpose_lhs_hint = false} : vector<32x8192xf32>, vector<32x32xf32>, vector<8192x32xf32> -> vector<8192x32xf32>
    %slice3A_10 = vector.extract_strided_slice %get3A_5 {offsets = [0, 16384], sizes = [32, 8192], strides = [1, 1]} : vector<32x32768xf32> to vector<32x8192xf32>
    %dot_general3A_11 = arith.constant dense<0.000000e+00> : vector<8192x32xf32>
    %dot_general3A_12 = tpu.matmul %slice3A_10, %convert_element_type3A_3, %dot_general3A_11 {dimension_numbers = #tpu.dot_dimension_numbers<[0], [0], [1], [1], [0, 1, 1, 1], [], []>, transpose_lhs_hint = false} : vector<32x8192xf32>, vector<32x32xf32>, vector<8192x32xf32> -> vector<8192x32xf32>
    %slice3A_13 = vector.extract_strided_slice %get3A_5 {offsets = [0, 24576], sizes = [32, 8192], strides = [1, 1]} : vector<32x32768xf32> to vector<32x8192xf32>
    %dot_general3A_14 = arith.constant dense<0.000000e+00> : vector<8192x32xf32>
    %dot_general3A_15 = tpu.matmul %slice3A_13, %convert_element_type3A_3, %dot_general3A_14 {dimension_numbers = #tpu.dot_dimension_numbers<[0], [0], [1], [1], [0, 1, 1, 1], [], []>, transpose_lhs_hint = false} : vector<32x8192xf32>, vector<32x32xf32>, vector<8192x32xf32> -> vector<8192x32xf32>
    %concatenate3A = tpu.concatenate %dot_general3A_6, %dot_general3A_9, %dot_general3A_12, %dot_general3A_15 in 1 : vector<8192x32xf32>, vector<8192x32xf32>, vector<8192x32xf32>, vector<8192x32xf32> -> vector<8192x128xf32>
    %swap3A = arith.constant 0 : index
    %swap3A_16 = arith.constant 0 : index
    %swap3A_17 = vector.load %arg2[%swap3A, %swap3A_16] : memref<8192x128xf32, #tpu.memory_space<vmem>>, vector<8192x128xf32>
    tpu.vector_store %arg2[%swap3A, %swap3A_16], %concatenate3A {strides = array<i32>} : memref<8192x128xf32, #tpu.memory_space<vmem>>, vector<8192x128xf32>,
    return
  }
  func.func @transform_0(%arg0: i32) -> (i32, i32) {
    %c0_i32 = arith.constant 0 : i32
    %c0_i32_0 = arith.constant 0 : i32
    return %c0_i32, %arg0 : i32, i32
  }
  func.func @transform_1(%arg0: i32) -> (i32, i32) {
    %c0_i32 = arith.constant 0 : i32
    %c0_i32_0 = arith.constant 0 : i32
    return %arg0, %c0_i32 : i32, i32
  }
}

module attributes {stable_mosaic.version = 14 : i64} {
  func.func @_relayout_body(%arg0: i32, %arg1: memref<32x32768xf32, #tpu.memory_space<vmem>>, %arg2: memref<8192x128xf32, #tpu.memory_space<vmem>>) attributes {dimension_semantics = [#tpu.dimension_semantics<arbitrary>], iteration_bounds = array<i64: 4>, scalar_prefetch = 0 : i64, scratch_operands = 0 : i64, tpu.core_type = #tpu.core_type<tc>, window_params = [{transform_indices = @transform_0, window_bounds = array<i64: 32, 32768>}, {transform_indices = @transform_1, window_bounds = array<i64: 8192, 128>}]} {
    %iota3A = tpu.iota {dimensions = array<i32: 0>} : vector<32x32xi32>
    %iota3A_0 = tpu.iota {dimensions = array<i32: 1>} : vector<32x32xi32>
    %add3A = arith.constant 0 : i32
    %add3A_1 = vector.broadcast %add3A : i32 to vector<32x32xi32>
    %add3A_2 = arith.addi %iota3A, %add3A_1 : vector<32x32xi32>
    %eq3A = arith.cmpi eq, %add3A_2, %iota3A_0 : vector<32x32xi32>
    %convert_element_type3A = arith.extui %eq3A : vector<32x32xi1> to vector<32x32xi32>
    %convert_element_type3A_3 = arith.sitofp %convert_element_type3A : vector<32x32xi32> to vector<32x32xf32>
    %get3A = arith.constant 0 : index
    %get3A_4 = arith.constant 0 : index
    %get3A_5 = vector.load %arg1[%get3A, %get3A_4] : memref<32x32768xf32, #tpu.memory_space<vmem>>, vector<32x32768xf32>
    %slice3A = vector.extract_strided_slice %get3A_5 {offsets = [0, 0], sizes = [32, 8192], strides = [1, 1]} : vector<32x32768xf32> to vector<32x8192xf32>
    %dot_general3A = arith.constant dense<0.000000e+00> : vector<8192x32xf32>
    %dot_general3A_6 = tpu.matmul %slice3A, %convert_element_type3A_3, %dot_general3A {dimension_numbers = #tpu.dot_dimension_numbers<[0], [0], [1], [1], [0, 1, 1, 1], [], []>, transpose_lhs_hint = false} : vector<32x8192xf32>, vector<32x32xf32>, vector<8192x32xf32> -> vector<8192x32xf32>
    %slice3A_7 = vector.extract_strided_slice %get3A_5 {offsets = [0, 8192], sizes = [32, 8192], strides = [1, 1]} : vector<32x32768xf32> to vector<32x8192xf32>
    %dot_general3A_8 = arith.constant dense<0.000000e+00> : vector<8192x32xf32>
    %dot_general3A_9 = tpu.matmul %slice3A_7, %convert_element_type3A_3, %dot_general3A_8 {dimension_numbers = #tpu.dot_dimension_numbers<[0], [0], [1], [1], [0, 1, 1, 1], [], []>, transpose_lhs_hint = false} : vector<32x8192xf32>, vector<32x32xf32>, vector<8192x32xf32> -> vector<8192x32xf32>
    %slice3A_10 = vector.extract_strided_slice %get3A_5 {offsets = [0, 16384], sizes = [32, 8192], strides = [1, 1]} : vector<32x32768xf32> to vector<32x8192xf32>
    %dot_general3A_11 = arith.constant dense<0.000000e+00> : vector<8192x32xf32>
    %dot_general3A_12 = tpu.matmul %slice3A_10, %convert_element_type3A_3, %dot_general3A_11 {dimension_numbers = #tpu.dot_dimension_numbers<[0], [0], [1], [1], [0, 1, 1, 1], [], []>, transpose_lhs_hint = false} : vector<32x8192xf32>, vector<32x32xf32>, vector<8192x32xf32> -> vector<8192x32xf32>
    %slice3A_13 = vector.extract_strided_slice %get3A_5 {offsets = [0, 24576], sizes = [32, 8192], strides = [1, 1]} : vector<32x32768xf32> to vector<32x8192xf32>
    %dot_general3A_14 = arith.constant dense<0.000000e+00> : vector<8192x32xf32>
    %dot_general3A_15 = tpu.matmul %slice3A_13, %convert_element_type3A_3, %dot_general3A_14 {dimension_numbers = #tpu.dot_dimension_numbers<[0], [0], [1], [1], [0, 1, 1, 1], [], []>, transpose_lhs_hint = false} : vector<32x8192xf32>, vector<32x32xf32>, vector<8192x32xf32> -> vector<8192x32xf32>
    %concatenate3A = tpu.concatenate %dot_general3A_6, %dot_general3A_9, %dot_general3A_12, %dot_general3A_15 in 1 : vector<8192x32xf32>, vector<8192x32xf32>, vector<8192x32xf32>, vector<8192x32xf32> -> vector<8192x128xf32>
    %swap3A = arith.constant 0 : index
    %swap3A_16 = arith.constant 0 : index
    %swap3A_17 = vector.load %arg2[%swap3A, %swap3A_16] : memref<8192x128xf32, #tpu.memory_space<vmem>>, vector<8192x128xf32>
    tpu.vector_store %arg2[%swap3A, %swap3A_16], %concatenate3A {strides = array<i32>} : memref<8192x128xf32, #tpu.memory_space<vmem>>, vector<8192x128xf32>,
    return
  }
  func.func @transform_0(%arg0: i32) -> (i32, i32) {
    %c0_i32 = arith.constant 0 : i32
    %c0_i32_0 = arith.constant 0 : i32
    return %c0_i32, %arg0 : i32, i32
  }
  func.func @transform_1(%arg0: i32) -> (i32, i32) {
    %c0_i32 = arith.constant 0 : i32
    %c0_i32_0 = arith.constant 0 : i32
    return %arg0, %c0_i32 : i32, i32
  }
}

module attributes {stable_mosaic.version = 14 : i64} {
  func.func @_tc_mlp_body(%arg0: i32, %arg1: memref<2048x1xi32, #tpu.memory_space<vmem>>, %arg2: memref<2048x1xi32, #tpu.memory_space<vmem>>, %arg3: memref<2048x1xi32, #tpu.memory_space<vmem>>, %arg4: memref<2048x128xf32, #tpu.memory_space<vmem>>, %arg5: memref<2048x128xf32, #tpu.memory_space<vmem>>, %arg6: memref<2048x128xf32, #tpu.memory_space<vmem>>, %arg7: memref<2048x128xf32, #tpu.memory_space<vmem>>, %arg8: memref<32x64xf32, #tpu.memory_space<vmem>>, %arg9: memref<32x64xf32, #tpu.memory_space<vmem>>, %arg10: memref<64xf32, #tpu.memory_space<vmem>>, %arg11: memref<64x32xf32, #tpu.memory_space<vmem>>, %arg12: memref<32xf32, #tpu.memory_space<vmem>>, %arg13: memref<32xf32, #tpu.memory_space<vmem>>, %arg14: memref<32xf32, #tpu.memory_space<vmem>>, %arg15: memref<1xf32, #tpu.memory_space<vmem>>, %arg16: memref<2048xf32, #tpu.memory_space<vmem>>) attributes {dimension_semantics = [#tpu.dimension_semantics<arbitrary>], iteration_bounds = array<i64: 8>, scalar_prefetch = 0 : i64, scratch_operands = 0 : i64, tpu.core_type = #tpu.core_type<tc>, window_params = [{transform_indices = @transform_0, window_bounds = array<i64: 2048, 1>}, {transform_indices = @transform_1, window_bounds = array<i64: 2048, 1>}, {transform_indices = @transform_2, window_bounds = array<i64: 2048, 1>}, {transform_indices = @transform_3, window_bounds = array<i64: 2048, 128>}, {transform_indices = @transform_4, window_bounds = array<i64: 2048, 128>}, {transform_indices = @transform_5, window_bounds = array<i64: 2048, 128>}, {transform_indices = @transform_6, window_bounds = array<i64: 2048, 128>}, {pipeline_mode = #tpu.pipeline_mode<synchronous>, transform_indices = @transform_7, window_bounds = array<i64: 32, 64>}, {pipeline_mode = #tpu.pipeline_mode<synchronous>, transform_indices = @transform_8, window_bounds = array<i64: 32, 64>}, {pipeline_mode = #tpu.pipeline_mode<synchronous>, transform_indices = @transform_9, window_bounds = array<i64: 64>}, {pipeline_mode = #tpu.pipeline_mode<synchronous>, transform_indices = @transform_10, window_bounds = array<i64: 64, 32>}, {pipeline_mode = #tpu.pipeline_mode<synchronous>, transform_indices = @transform_11, window_bounds = array<i64: 32>}, {pipeline_mode = #tpu.pipeline_mode<synchronous>, transform_indices = @transform_12, window_bounds = array<i64: 32>}, {pipeline_mode = #tpu.pipeline_mode<synchronous>, transform_indices = @transform_13, window_bounds = array<i64: 32>}, {pipeline_mode = #tpu.pipeline_mode<synchronous>, transform_indices = @transform_14, window_bounds = array<i64: 1>}, {transform_indices = @transform_15, window_bounds = array<i64: 2048>}]} {
    %get3A = arith.constant 0 : index
    %get3A_0 = arith.constant 0 : index
    %get3A_1 = vector.load %arg1[%get3A, %get3A_0] : memref<2048x1xi32, #tpu.memory_space<vmem>>, vector<2048x1xi32>
    %get3A_2 = arith.constant 0 : index
    %get3A_3 = arith.constant 0 : index
    %get3A_4 = vector.load %arg2[%get3A_2, %get3A_3] : memref<2048x1xi32, #tpu.memory_space<vmem>>, vector<2048x1xi32>
    %get3A_5 = arith.constant 0 : index
    %get3A_6 = arith.constant 0 : index
    %get3A_7 = vector.load %arg3[%get3A_5, %get3A_6] : memref<2048x1xi32, #tpu.memory_space<vmem>>, vector<2048x1xi32>
    %get3A_8 = arith.constant 0 : index
    %get3A_9 = arith.constant 0 : index
    %get3A_10 = vector.load %arg4[%get3A_8, %get3A_9] : memref<2048x128xf32, #tpu.memory_space<vmem>>, vector<2048x128xf32>
    %eq3A = arith.constant 0 : i32
    %eq3A_11 = vector.broadcast %eq3A : i32 to vector<2048x1xi32>
    %eq3A_12 = arith.cmpi eq, %get3A_1, %eq3A_11 : vector<2048x1xi32>
    %slice3A = vector.extract_strided_slice %get3A_10 {offsets = [0, 0], sizes = [2048, 32], strides = [1, 1]} : vector<2048x128xf32> to vector<2048x32xf32>
    %jit3A = arith.constant 0.000000e+00 : f32
    %broadcast_in_dim3A = vector.shape_cast %eq3A_12 : vector<2048x1xi1> to vector<2048x1xi1>
    %broadcast_in_dim3A_13 = vector.broadcast %broadcast_in_dim3A : vector<2048x1xi1> to vector<2048x32xi1>
    %broadcast_in_dim3A_14 = vector.broadcast %jit3A : f32 to vector<2048x32xf32>
    %select_n3A = arith.select %broadcast_in_dim3A_13, %slice3A, %broadcast_in_dim3A_14 : vector<2048x32xi1>, vector<2048x32xf32>
    %eq3A_15 = arith.constant 1 : i32
    %eq3A_16 = vector.broadcast %eq3A_15 : i32 to vector<2048x1xi32>
    %eq3A_17 = arith.cmpi eq, %get3A_1, %eq3A_16 : vector<2048x1xi32>
    %slice3A_18 = vector.extract_strided_slice %get3A_10 {offsets = [0, 32], sizes = [2048, 32], strides = [1, 1]} : vector<2048x128xf32> to vector<2048x32xf32>
    %jit3A_19 = arith.constant 0.000000e+00 : f32
    %broadcast_in_dim3A_20 = vector.shape_cast %eq3A_17 : vector<2048x1xi1> to vector<2048x1xi1>
    %broadcast_in_dim3A_21 = vector.broadcast %broadcast_in_dim3A_20 : vector<2048x1xi1> to vector<2048x32xi1>
    %broadcast_in_dim3A_22 = vector.broadcast %jit3A_19 : f32 to vector<2048x32xf32>
    %select_n3A_23 = arith.select %broadcast_in_dim3A_21, %slice3A_18, %broadcast_in_dim3A_22 : vector<2048x32xi1>, vector<2048x32xf32>
    %add3A = arith.addf %select_n3A, %select_n3A_23 : vector<2048x32xf32>
    %eq3A_24 = arith.constant 2 : i32
    %eq3A_25 = vector.broadcast %eq3A_24 : i32 to vector<2048x1xi32>
    %eq3A_26 = arith.cmpi eq, %get3A_1, %eq3A_25 : vector<2048x1xi32>
    %slice3A_27 = vector.extract_strided_slice %get3A_10 {offsets = [0, 64], sizes = [2048, 32], strides = [1, 1]} : vector<2048x128xf32> to vector<2048x32xf32>
    %jit3A_28 = arith.constant 0.000000e+00 : f32
    %broadcast_in_dim3A_29 = vector.shape_cast %eq3A_26 : vector<2048x1xi1> to vector<2048x1xi1>
    %broadcast_in_dim3A_30 = vector.broadcast %broadcast_in_dim3A_29 : vector<2048x1xi1> to vector<2048x32xi1>
    %broadcast_in_dim3A_31 = vector.broadcast %jit3A_28 : f32 to vector<2048x32xf32>
    %select_n3A_32 = arith.select %broadcast_in_dim3A_30, %slice3A_27, %broadcast_in_dim3A_31 : vector<2048x32xi1>, vector<2048x32xf32>
    %add3A_33 = arith.addf %add3A, %select_n3A_32 : vector<2048x32xf32>
    %eq3A_34 = arith.constant 3 : i32
    %eq3A_35 = vector.broadcast %eq3A_34 : i32 to vector<2048x1xi32>
    %eq3A_36 = arith.cmpi eq, %get3A_1, %eq3A_35 : vector<2048x1xi32>
    %slice3A_37 = vector.extract_strided_slice %get3A_10 {offsets = [0, 96], sizes = [2048, 32], strides = [1, 1]} : vector<2048x128xf32> to vector<2048x32xf32>
    %jit3A_38 = arith.constant 0.000000e+00 : f32
    %broadcast_in_dim3A_39 = vector.shape_cast %eq3A_36 : vector<2048x1xi1> to vector<2048x1xi1>
    %broadcast_in_dim3A_40 = vector.broadcast %broadcast_in_dim3A_39 : vector<2048x1xi1> to vector<2048x32xi1>
    %broadcast_in_dim3A_41 = vector.broadcast %jit3A_38 : f32 to vector<2048x32xf32>
    %select_n3A_42 = arith.select %broadcast_in_dim3A_40, %slice3A_37, %broadcast_in_dim3A_41 : vector<2048x32xi1>, vector<2048x32xf32>
    %add3A_43 = arith.addf %add3A_33, %select_n3A_42 : vector<2048x32xf32>
    %get3A_44 = arith.constant 0 : index
    %get3A_45 = arith.constant 0 : index
    %get3A_46 = vector.load %arg5[%get3A_44, %get3A_45] : memref<2048x128xf32, #tpu.memory_space<vmem>>, vector<2048x128xf32>
    %eq3A_47 = arith.constant 0 : i32
    %eq3A_48 = vector.broadcast %eq3A_47 : i32 to vector<2048x1xi32>
    %eq3A_49 = arith.cmpi eq, %get3A_7, %eq3A_48 : vector<2048x1xi32>
    %slice3A_50 = vector.extract_strided_slice %get3A_46 {offsets = [0, 0], sizes = [2048, 32], strides = [1, 1]} : vector<2048x128xf32> to vector<2048x32xf32>
    %jit3A_51 = arith.constant 0.000000e+00 : f32
    %broadcast_in_dim3A_52 = vector.shape_cast %eq3A_49 : vector<2048x1xi1> to vector<2048x1xi1>
    %broadcast_in_dim3A_53 = vector.broadcast %broadcast_in_dim3A_52 : vector<2048x1xi1> to vector<2048x32xi1>
    %broadcast_in_dim3A_54 = vector.broadcast %jit3A_51 : f32 to vector<2048x32xf32>
    %select_n3A_55 = arith.select %broadcast_in_dim3A_53, %slice3A_50, %broadcast_in_dim3A_54 : vector<2048x32xi1>, vector<2048x32xf32>
    %eq3A_56 = arith.constant 1 : i32
    %eq3A_57 = vector.broadcast %eq3A_56 : i32 to vector<2048x1xi32>
    %eq3A_58 = arith.cmpi eq, %get3A_7, %eq3A_57 : vector<2048x1xi32>
    %slice3A_59 = vector.extract_strided_slice %get3A_46 {offsets = [0, 32], sizes = [2048, 32], strides = [1, 1]} : vector<2048x128xf32> to vector<2048x32xf32>
    %jit3A_60 = arith.constant 0.000000e+00 : f32
    %broadcast_in_dim3A_61 = vector.shape_cast %eq3A_58 : vector<2048x1xi1> to vector<2048x1xi1>
    %broadcast_in_dim3A_62 = vector.broadcast %broadcast_in_dim3A_61 : vector<2048x1xi1> to vector<2048x32xi1>
    %broadcast_in_dim3A_63 = vector.broadcast %jit3A_60 : f32 to vector<2048x32xf32>
    %select_n3A_64 = arith.select %broadcast_in_dim3A_62, %slice3A_59, %broadcast_in_dim3A_63 : vector<2048x32xi1>, vector<2048x32xf32>
    %add3A_65 = arith.addf %select_n3A_55, %select_n3A_64 : vector<2048x32xf32>
    %eq3A_66 = arith.constant 2 : i32
    %eq3A_67 = vector.broadcast %eq3A_66 : i32 to vector<2048x1xi32>
    %eq3A_68 = arith.cmpi eq, %get3A_7, %eq3A_67 : vector<2048x1xi32>
    %slice3A_69 = vector.extract_strided_slice %get3A_46 {offsets = [0, 64], sizes = [2048, 32], strides = [1, 1]} : vector<2048x128xf32> to vector<2048x32xf32>
    %jit3A_70 = arith.constant 0.000000e+00 : f32
    %broadcast_in_dim3A_71 = vector.shape_cast %eq3A_68 : vector<2048x1xi1> to vector<2048x1xi1>
    %broadcast_in_dim3A_72 = vector.broadcast %broadcast_in_dim3A_71 : vector<2048x1xi1> to vector<2048x32xi1>
    %broadcast_in_dim3A_73 = vector.broadcast %jit3A_70 : f32 to vector<2048x32xf32>
    %select_n3A_74 = arith.select %broadcast_in_dim3A_72, %slice3A_69, %broadcast_in_dim3A_73 : vector<2048x32xi1>, vector<2048x32xf32>
    %add3A_75 = arith.addf %add3A_65, %select_n3A_74 : vector<2048x32xf32>
    %eq3A_76 = arith.constant 3 : i32
    %eq3A_77 = vector.broadcast %eq3A_76 : i32 to vector<2048x1xi32>
    %eq3A_78 = arith.cmpi eq, %get3A_7, %eq3A_77 : vector<2048x1xi32>
    %slice3A_79 = vector.extract_strided_slice %get3A_46 {offsets = [0, 96], sizes = [2048, 32], strides = [1, 1]} : vector<2048x128xf32> to vector<2048x32xf32>
    %jit3A_80 = arith.constant 0.000000e+00 : f32
    %broadcast_in_dim3A_81 = vector.shape_cast %eq3A_78 : vector<2048x1xi1> to vector<2048x1xi1>
    %broadcast_in_dim3A_82 = vector.broadcast %broadcast_in_dim3A_81 : vector<2048x1xi1> to vector<2048x32xi1>
    %broadcast_in_dim3A_83 = vector.broadcast %jit3A_80 : f32 to vector<2048x32xf32>
    %select_n3A_84 = arith.select %broadcast_in_dim3A_82, %slice3A_79, %broadcast_in_dim3A_83 : vector<2048x32xi1>, vector<2048x32xf32>
    %add3A_85 = arith.addf %add3A_75, %select_n3A_84 : vector<2048x32xf32>
    %get3A_86 = arith.constant 0 : index
    %get3A_87 = arith.constant 0 : index
    %get3A_88 = vector.load %arg6[%get3A_86, %get3A_87] : memref<2048x128xf32, #tpu.memory_space<vmem>>, vector<2048x128xf32>
    %eq3A_89 = arith.constant 0 : i32
    %eq3A_90 = vector.broadcast %eq3A_89 : i32 to vector<2048x1xi32>
    %eq3A_91 = arith.cmpi eq, %get3A_4, %eq3A_90 : vector<2048x1xi32>
    %slice3A_92 = vector.extract_strided_slice %get3A_88 {offsets = [0, 0], sizes = [2048, 32], strides = [1, 1]} : vector<2048x128xf32> to vector<2048x32xf32>
    %jit3A_93 = arith.constant 0.000000e+00 : f32
    %broadcast_in_dim3A_94 = vector.shape_cast %eq3A_91 : vector<2048x1xi1> to vector<2048x1xi1>
    %broadcast_in_dim3A_95 = vector.broadcast %broadcast_in_dim3A_94 : vector<2048x1xi1> to vector<2048x32xi1>
    %broadcast_in_dim3A_96 = vector.broadcast %jit3A_93 : f32 to vector<2048x32xf32>
    %select_n3A_97 = arith.select %broadcast_in_dim3A_95, %slice3A_92, %broadcast_in_dim3A_96 : vector<2048x32xi1>, vector<2048x32xf32>
    %eq3A_98 = arith.constant 1 : i32
    %eq3A_99 = vector.broadcast %eq3A_98 : i32 to vector<2048x1xi32>
    %eq3A_100 = arith.cmpi eq, %get3A_4, %eq3A_99 : vector<2048x1xi32>
    %slice3A_101 = vector.extract_strided_slice %get3A_88 {offsets = [0, 32], sizes = [2048, 32], strides = [1, 1]} : vector<2048x128xf32> to vector<2048x32xf32>
    %jit3A_102 = arith.constant 0.000000e+00 : f32
    %broadcast_in_dim3A_103 = vector.shape_cast %eq3A_100 : vector<2048x1xi1> to vector<2048x1xi1>
    %broadcast_in_dim3A_104 = vector.broadcast %broadcast_in_dim3A_103 : vector<2048x1xi1> to vector<2048x32xi1>
    %broadcast_in_dim3A_105 = vector.broadcast %jit3A_102 : f32 to vector<2048x32xf32>
    %select_n3A_106 = arith.select %broadcast_in_dim3A_104, %slice3A_101, %broadcast_in_dim3A_105 : vector<2048x32xi1>, vector<2048x32xf32>
    %add3A_107 = arith.addf %select_n3A_97, %select_n3A_106 : vector<2048x32xf32>
    %eq3A_108 = arith.constant 2 : i32
    %eq3A_109 = vector.broadcast %eq3A_108 : i32 to vector<2048x1xi32>
    %eq3A_110 = arith.cmpi eq, %get3A_4, %eq3A_109 : vector<2048x1xi32>
    %slice3A_111 = vector.extract_strided_slice %get3A_88 {offsets = [0, 64], sizes = [2048, 32], strides = [1, 1]} : vector<2048x128xf32> to vector<2048x32xf32>
    %jit3A_112 = arith.constant 0.000000e+00 : f32
    %broadcast_in_dim3A_113 = vector.shape_cast %eq3A_110 : vector<2048x1xi1> to vector<2048x1xi1>
    %broadcast_in_dim3A_114 = vector.broadcast %broadcast_in_dim3A_113 : vector<2048x1xi1> to vector<2048x32xi1>
    %broadcast_in_dim3A_115 = vector.broadcast %jit3A_112 : f32 to vector<2048x32xf32>
    %select_n3A_116 = arith.select %broadcast_in_dim3A_114, %slice3A_111, %broadcast_in_dim3A_115 : vector<2048x32xi1>, vector<2048x32xf32>
    %add3A_117 = arith.addf %add3A_107, %select_n3A_116 : vector<2048x32xf32>
    %eq3A_118 = arith.constant 3 : i32
    %eq3A_119 = vector.broadcast %eq3A_118 : i32 to vector<2048x1xi32>
    %eq3A_120 = arith.cmpi eq, %get3A_4, %eq3A_119 : vector<2048x1xi32>
    %slice3A_121 = vector.extract_strided_slice %get3A_88 {offsets = [0, 96], sizes = [2048, 32], strides = [1, 1]} : vector<2048x128xf32> to vector<2048x32xf32>
    %jit3A_122 = arith.constant 0.000000e+00 : f32
    %broadcast_in_dim3A_123 = vector.shape_cast %eq3A_120 : vector<2048x1xi1> to vector<2048x1xi1>
    %broadcast_in_dim3A_124 = vector.broadcast %broadcast_in_dim3A_123 : vector<2048x1xi1> to vector<2048x32xi1>
    %broadcast_in_dim3A_125 = vector.broadcast %jit3A_122 : f32 to vector<2048x32xf32>
    %select_n3A_126 = arith.select %broadcast_in_dim3A_124, %slice3A_121, %broadcast_in_dim3A_125 : vector<2048x32xi1>, vector<2048x32xf32>
    %add3A_127 = arith.addf %add3A_117, %select_n3A_126 : vector<2048x32xf32>
    %get3A_128 = arith.constant 0 : index
    %get3A_129 = arith.constant 0 : index
    %get3A_130 = vector.load %arg7[%get3A_128, %get3A_129] : memref<2048x128xf32, #tpu.memory_space<vmem>>, vector<2048x128xf32>
    %eq3A_131 = arith.constant 0 : i32
    %eq3A_132 = vector.broadcast %eq3A_131 : i32 to vector<2048x1xi32>
    %eq3A_133 = arith.cmpi eq, %get3A_7, %eq3A_132 : vector<2048x1xi32>
    %slice3A_134 = vector.extract_strided_slice %get3A_130 {offsets = [0, 0], sizes = [2048, 32], strides = [1, 1]} : vector<2048x128xf32> to vector<2048x32xf32>
    %jit3A_135 = arith.constant 0.000000e+00 : f32
    %broadcast_in_dim3A_136 = vector.shape_cast %eq3A_133 : vector<2048x1xi1> to vector<2048x1xi1>
    %broadcast_in_dim3A_137 = vector.broadcast %broadcast_in_dim3A_136 : vector<2048x1xi1> to vector<2048x32xi1>
    %broadcast_in_dim3A_138 = vector.broadcast %jit3A_135 : f32 to vector<2048x32xf32>
    %select_n3A_139 = arith.select %broadcast_in_dim3A_137, %slice3A_134, %broadcast_in_dim3A_138 : vector<2048x32xi1>, vector<2048x32xf32>
    %eq3A_140 = arith.constant 1 : i32
    %eq3A_141 = vector.broadcast %eq3A_140 : i32 to vector<2048x1xi32>
    %eq3A_142 = arith.cmpi eq, %get3A_7, %eq3A_141 : vector<2048x1xi32>
    %slice3A_143 = vector.extract_strided_slice %get3A_130 {offsets = [0, 32], sizes = [2048, 32], strides = [1, 1]} : vector<2048x128xf32> to vector<2048x32xf32>
    %jit3A_144 = arith.constant 0.000000e+00 : f32
    %broadcast_in_dim3A_145 = vector.shape_cast %eq3A_142 : vector<2048x1xi1> to vector<2048x1xi1>
    %broadcast_in_dim3A_146 = vector.broadcast %broadcast_in_dim3A_145 : vector<2048x1xi1> to vector<2048x32xi1>
    %broadcast_in_dim3A_147 = vector.broadcast %jit3A_144 : f32 to vector<2048x32xf32>
    %select_n3A_148 = arith.select %broadcast_in_dim3A_146, %slice3A_143, %broadcast_in_dim3A_147 : vector<2048x32xi1>, vector<2048x32xf32>
    %add3A_149 = arith.addf %select_n3A_139, %select_n3A_148 : vector<2048x32xf32>
    %eq3A_150 = arith.constant 2 : i32
    %eq3A_151 = vector.broadcast %eq3A_150 : i32 to vector<2048x1xi32>
    %eq3A_152 = arith.cmpi eq, %get3A_7, %eq3A_151 : vector<2048x1xi32>
    %slice3A_153 = vector.extract_strided_slice %get3A_130 {offsets = [0, 64], sizes = [2048, 32], strides = [1, 1]} : vector<2048x128xf32> to vector<2048x32xf32>
    %jit3A_154 = arith.constant 0.000000e+00 : f32
    %broadcast_in_dim3A_155 = vector.shape_cast %eq3A_152 : vector<2048x1xi1> to vector<2048x1xi1>
    %broadcast_in_dim3A_156 = vector.broadcast %broadcast_in_dim3A_155 : vector<2048x1xi1> to vector<2048x32xi1>
    %broadcast_in_dim3A_157 = vector.broadcast %jit3A_154 : f32 to vector<2048x32xf32>
    %select_n3A_158 = arith.select %broadcast_in_dim3A_156, %slice3A_153, %broadcast_in_dim3A_157 : vector<2048x32xi1>, vector<2048x32xf32>
    %add3A_159 = arith.addf %add3A_149, %select_n3A_158 : vector<2048x32xf32>
    %eq3A_160 = arith.constant 3 : i32
    %eq3A_161 = vector.broadcast %eq3A_160 : i32 to vector<2048x1xi32>
    %eq3A_162 = arith.cmpi eq, %get3A_7, %eq3A_161 : vector<2048x1xi32>
    %slice3A_163 = vector.extract_strided_slice %get3A_130 {offsets = [0, 96], sizes = [2048, 32], strides = [1, 1]} : vector<2048x128xf32> to vector<2048x32xf32>
    %jit3A_164 = arith.constant 0.000000e+00 : f32
    %broadcast_in_dim3A_165 = vector.shape_cast %eq3A_162 : vector<2048x1xi1> to vector<2048x1xi1>
    %broadcast_in_dim3A_166 = vector.broadcast %broadcast_in_dim3A_165 : vector<2048x1xi1> to vector<2048x32xi1>
    %broadcast_in_dim3A_167 = vector.broadcast %jit3A_164 : f32 to vector<2048x32xf32>
    %select_n3A_168 = arith.select %broadcast_in_dim3A_166, %slice3A_163, %broadcast_in_dim3A_167 : vector<2048x32xi1>, vector<2048x32xf32>
    %add3A_169 = arith.addf %add3A_159, %select_n3A_168 : vector<2048x32xf32>
    %mul3A = arith.mulf %add3A_43, %add3A_85 : vector<2048x32xf32>
    %get3A_170 = arith.constant 0 : index
    %get3A_171 = arith.constant 0 : index
    %get3A_172 = vector.load %arg8[%get3A_170, %get3A_171] : memref<32x64xf32, #tpu.memory_space<vmem>>, vector<32x64xf32>
    %dot_general3A = arith.constant dense<0.000000e+00> : vector<2048x64xf32>
    %dot_general3A_173 = tpu.matmul %add3A_127, %get3A_172, %dot_general3A {dimension_numbers = #tpu.dot_dimension_numbers<[1], [0], [0], [1], [0, 0, 1, 1], [], []>, transpose_lhs_hint = false} : vector<2048x32xf32>, vector<32x64xf32>, vector<2048x64xf32> -> vector<2048x64xf32>
    %get3A_174 = arith.constant 0 : index
    %get3A_175 = arith.constant 0 : index
    %get3A_176 = vector.load %arg9[%get3A_174, %get3A_175] : memref<32x64xf32, #tpu.memory_space<vmem>>, vector<32x64xf32>
    %dot_general3A_177 = arith.constant dense<0.000000e+00> : vector<2048x64xf32>
    %dot_general3A_178 = tpu.matmul %add3A_169, %get3A_176, %dot_general3A_177 {dimension_numbers = #tpu.dot_dimension_numbers<[1], [0], [0], [1], [0, 0, 1, 1], [], []>, transpose_lhs_hint = false} : vector<2048x32xf32>, vector<32x64xf32>, vector<2048x64xf32> -> vector<2048x64xf32>
    %add3A_179 = arith.addf %dot_general3A_173, %dot_general3A_178 : vector<2048x64xf32>
    %get3A_180 = arith.constant 0 : index
    %get3A_181 = vector.load %arg10[%get3A_180] : memref<64xf32, #tpu.memory_space<vmem>>, vector<64xf32>
    %broadcast_in_dim3A_182 = vector.shape_cast %get3A_181 : vector<64xf32> to vector<1x64xf32>
    %add3A_183 = vector.broadcast %broadcast_in_dim3A_182 : vector<1x64xf32> to vector<2048x64xf32>
    %add3A_184 = arith.addf %add3A_179, %add3A_183 : vector<2048x64xf32>
    %max3A = arith.constant 0.000000e+00 : f32
    %max3A_185 = vector.broadcast %max3A : f32 to vector<2048x64xf32>
    %max3A_186 = arith.maximumf %add3A_184, %max3A_185 : vector<2048x64xf32>
    %get3A_187 = arith.constant 0 : index
    %get3A_188 = arith.constant 0 : index
    %get3A_189 = vector.load %arg11[%get3A_187, %get3A_188] : memref<64x32xf32, #tpu.memory_space<vmem>>, vector<64x32xf32>
    %dot_general3A_190 = arith.constant dense<0.000000e+00> : vector<2048x32xf32>
    %dot_general3A_191 = tpu.matmul %max3A_186, %get3A_189, %dot_general3A_190 {dimension_numbers = #tpu.dot_dimension_numbers<[1], [0], [0], [1], [0, 0, 1, 1], [], []>, transpose_lhs_hint = false} : vector<2048x64xf32>, vector<64x32xf32>, vector<2048x32xf32> -> vector<2048x32xf32>
    %get3A_192 = arith.constant 0 : index
    %get3A_193 = vector.load %arg12[%get3A_192] : memref<32xf32, #tpu.memory_space<vmem>>, vector<32xf32>
    %broadcast_in_dim3A_194 = vector.shape_cast %get3A_193 : vector<32xf32> to vector<1x32xf32>
    %add3A_195 = vector.broadcast %broadcast_in_dim3A_194 : vector<1x32xf32> to vector<2048x32xf32>
    %add3A_196 = arith.addf %dot_general3A_191, %add3A_195 : vector<2048x32xf32>
    %max3A_197 = arith.constant 0.000000e+00 : f32
    %max3A_198 = vector.broadcast %max3A_197 : f32 to vector<2048x32xf32>
    %max3A_199 = arith.maximumf %add3A_196, %max3A_198 : vector<2048x32xf32>
    %get3A_200 = arith.constant 0 : index
    %get3A_201 = vector.load %arg13[%get3A_200] : memref<32xf32, #tpu.memory_space<vmem>>, vector<32xf32>
    %broadcast_in_dim3A_202 = vector.shape_cast %get3A_201 : vector<32xf32> to vector<1x32xf32>
    %mul3A_203 = vector.broadcast %broadcast_in_dim3A_202 : vector<1x32xf32> to vector<2048x32xf32>
    %mul3A_204 = arith.mulf %mul3A, %mul3A_203 : vector<2048x32xf32>
    %reduce_sum3A = arith.constant dense<0.000000e+00> : vector<2048xf32>
    %reduce_sum3A_205 = vector.multi_reduction <add>, %mul3A_204, %reduce_sum3A [1] : vector<2048x32xf32> to vector<2048xf32>
    %get3A_206 = arith.constant 0 : index
    %get3A_207 = vector.load %arg14[%get3A_206] : memref<32xf32, #tpu.memory_space<vmem>>, vector<32xf32>
    %broadcast_in_dim3A_208 = vector.shape_cast %get3A_207 : vector<32xf32> to vector<1x32xf32>
    %mul3A_209 = vector.broadcast %broadcast_in_dim3A_208 : vector<1x32xf32> to vector<2048x32xf32>
    %mul3A_210 = arith.mulf %max3A_199, %mul3A_209 : vector<2048x32xf32>
    %reduce_sum3A_211 = arith.constant dense<0.000000e+00> : vector<2048xf32>
    %reduce_sum3A_212 = vector.multi_reduction <add>, %mul3A_210, %reduce_sum3A_211 [1] : vector<2048x32xf32> to vector<2048xf32>
    %add3A_213 = arith.addf %reduce_sum3A_205, %reduce_sum3A_212 : vector<2048xf32>
    %get3A_214 = arith.constant 0 : index
    %get3A_215 = vector.load %arg15[%get3A_214] : memref<1xf32, #tpu.memory_space<vmem>>, vector<1xf32>
    %get3A_216 = vector.extract %get3A_215[0] : f32 from vector<1xf32>
    %add3A_217 = vector.broadcast %get3A_216 : f32 to vector<2048xf32>
    %add3A_218 = arith.addf %add3A_213, %add3A_217 : vector<2048xf32>
    %swap3A = arith.constant 0 : index
    %swap3A_219 = vector.load %arg16[%swap3A] : memref<2048xf32, #tpu.memory_space<vmem>>, vector<2048xf32>
    tpu.vector_store %arg16[%swap3A], %add3A_218 {strides = array<i32>} : memref<2048xf32, #tpu.memory_space<vmem>>, vector<2048xf32>,
    return
  }
  func.func @transform_0(%arg0: i32) -> (i32, i32) {
    %c0_i32 = arith.constant 0 : i32
    %c0_i32_0 = arith.constant 0 : i32
    return %arg0, %c0_i32 : i32, i32
  }
  func.func @transform_1(%arg0: i32) -> (i32, i32) {
    %c0_i32 = arith.constant 0 : i32
    %c0_i32_0 = arith.constant 0 : i32
    return %arg0, %c0_i32 : i32, i32
  }
  func.func @transform_2(%arg0: i32) -> (i32, i32) {
    %c0_i32 = arith.constant 0 : i32
    %c0_i32_0 = arith.constant 0 : i32
    return %arg0, %c0_i32 : i32, i32
  }
  func.func @transform_3(%arg0: i32) -> (i32, i32) {
    %c0_i32 = arith.constant 0 : i32
    %c0_i32_0 = arith.constant 0 : i32
    return %arg0, %c0_i32 : i32, i32
  }
  func.func @transform_4(%arg0: i32) -> (i32, i32) {
    %c0_i32 = arith.constant 0 : i32
    %c0_i32_0 = arith.constant 0 : i32
    return %arg0, %c0_i32 : i32, i32
  }
  func.func @transform_5(%arg0: i32) -> (i32, i32) {
    %c0_i32 = arith.constant 0 : i32
    %c0_i32_0 = arith.constant 0 : i32
    return %arg0, %c0_i32 : i32, i32
  }
  func.func @transform_6(%arg0: i32) -> (i32, i32) {
    %c0_i32 = arith.constant 0 : i32
    %c0_i32_0 = arith.constant 0 : i32
    return %arg0, %c0_i32 : i32, i32
  }
  func.func @transform_7(%arg0: i32) -> (i32, i32) {
    %c0_i32 = arith.constant 0 : i32
    %c0_i32_0 = arith.constant 0 : i32
    %c0_i32_1 = arith.constant 0 : i32
    return %c0_i32, %c0_i32_0 : i32, i32
  }
  func.func @transform_8(%arg0: i32) -> (i32, i32) {
    %c0_i32 = arith.constant 0 : i32
    %c0_i32_0 = arith.constant 0 : i32
    %c0_i32_1 = arith.constant 0 : i32
    return %c0_i32, %c0_i32_0 : i32, i32
  }
  func.func @transform_9(%arg0: i32) -> i32 {
    %c0_i32 = arith.constant 0 : i32
    %c0_i32_0 = arith.constant 0 : i32
    return %c0_i32 : i32
  }
  func.func @transform_10(%arg0: i32) -> (i32, i32) {
    %c0_i32 = arith.constant 0 : i32
    %c0_i32_0 = arith.constant 0 : i32
    %c0_i32_1 = arith.constant 0 : i32
    return %c0_i32, %c0_i32_0 : i32, i32
  }
  func.func @transform_11(%arg0: i32) -> i32 {
    %c0_i32 = arith.constant 0 : i32
    %c0_i32_0 = arith.constant 0 : i32
    return %c0_i32 : i32
  }
  func.func @transform_12(%arg0: i32) -> i32 {
    %c0_i32 = arith.constant 0 : i32
    %c0_i32_0 = arith.constant 0 : i32
    return %c0_i32 : i32
  }
  func.func @transform_13(%arg0: i32) -> i32 {
    %c0_i32 = arith.constant 0 : i32
    %c0_i32_0 = arith.constant 0 : i32
    return %c0_i32 : i32
  }
  func.func @transform_14(%arg0: i32) -> i32 {
    %c0_i32 = arith.constant 0 : i32
    %c0_i32_0 = arith.constant 0 : i32
    return %c0_i32 : i32
  }
  func.func @transform_15(%arg0: i32) -> i32 {
    %c0_i32 = arith.constant 0 : i32
    return %arg0 : i32
  }
}

</mosaic_0001>

<sc_bundles>
// kernel: _neumf.8.cloned.1.call-start
scs
__scs_entry_jumppad:
0x0: {  	(pc) =	sbr.rel $0x88, $3  }
0x1: {  	(tag) =	ssettag $0x0;
	lr =	simm.s32 $0x1  }
0x2: {  	[smem:$0x3F95] =	sst lr;
	_ =	strace $0xD0000000  }
0x3: {  	_ = 	snop  }
0x4: {  	_ = 	snop  }
0x5: {  	_ = 	snop  }
0x6: {  	_ = 	snop  }
0x7: {  	_ = 	snop  }
__scs_overlays_trampoline_lowered:
0x8: {  	[smem:$0x3FA4] =	sst s0  }
0x9: {  	[smem:$0x3FA5] =	sst s1  }
0xa: {  	[smem:$0x3FA6] =	sst s2  }
0xb: {  	[smem:$0x3FA7] =	sst s3  }
0xc: {  	[smem:$0x3FA8] =	sst s4  }
0xd: {  	[smem:$0x3FA9] =	sst s5  }
0xe: {  	[smem:$0x3FAA] =	sst s6  }
0xf: {  	[smem:$0x3FAB] =	sst s7  }
0x10: {  	[smem:$0x3FAC] =	sst s8  }
0x11: {  	[smem:$0x3FAD] =	sst s9;
	s0 =	simm.s32 @!p0 $0x0  }
0x12: {  	s1 =	sld [smem:$0x3F93];
	s0 =	simm.s32 @p0 $0x1  }
0x13: {  	[smem:$0x3FAE] =	sst s0;
	s0 =	simm.s32 @!p1 $0x0  }
0x14: {  	s2 =	sld [smem:$0x3F92];
	s0 =	simm.s32 @p1 $0x1  }
0x15: {  	[smem:$0x3FAF] =	sst s0;
	s0 =	simm.s32 @!p2 $0x0  }
0x16: {  	s3 =	sld [smem:$0x3FDB];
	s0 =	simm.s32 @p2 $0x1  }
0x17: {  	s4 =	simm.s32 $0x1BF5;
	[smem:$0x3FB1] =	sst s0  }
0x18: {  	s0 =	sld [smem:$0x3F94];
	_ =	swait.ge [sflag:s4], $0x0  }
0x19: {  	s7 =	sld [smem:$0x3F95]  }
0x1a: {  	s8 =	sadd.s32 $0xFFFFE003, lr  }
0x1b: {  	s9 =	sadd.s32 $0xFFFFFEF7, lr;
	s5 =	simm.s32 $0xFFFFFFFF;
	p2 =	slt.u32 s8, $0xFFFFF086  }
0x1c: {  	p1 =	slt.u32 s9, $0xF7A;
	s5 =	simm.s32 @!p2 $0x0  }
0x1d: {  	s5 =	simm.s32 @p1 $0x1;
	p0 =	seq.s32 s7, s2  }
0x1e: {  	s7 =	smul.u32 @!p0 $0xF7A, s2;
	p2 =	seq.s32 @!p0 s5, $0x0  }
0x1f: {  	s9 =	smul.u32 $0xF7A, s1;
	s8 =	simm.s32 @!p0 $0x1BF5;
	p2 =	por !p2, p0  }
0x20: {  	[sflag:s8] =	ssyncset.s32 @!p0 $0xFFFFF086;
	s6 =	sadd.s32 @!p0 s3, s7;
	s7 =	simm.s32 @!p0 $0x108  }
0x21: {  	s3 =	sadd.s32 s3, s9;
	s6 =	sadd.s32 @!p0 $0x88, s6;
	s7 =	simm.s32 @p2 $0x1082  }
0x22: {  	[simem:s7], [sflag:s8] =	dma.local @!p0 [hbm:s6], $0xF7A  }
0x23: {  	s9 =	sor.u32 $0xD0000000, s2;
	s6 =	simm.s32 $0x108;
	_ =	swait.ge @!p0 [sflag:s8], $0x0  }
0x24: {  	s3 =	sadd.s32 $0x88, s3;
	s6 =	simm.s32 @!p1 $0x1082;
	[sflag:s4] =	ssyncset.s32 $0xFFFFF086  }
0x25: {  	[simem:s6], [sflag:s4] =	dma.local [hbm:s3], $0xF7A  }
0x26: {  	[smem:$0x3F95] =	sst s1;
	(tag) =	ssettag s2;
	_ =	strace s9  }
0x27: {  	s1 =	sld [smem:$0x3FA5]  }
0x28: {  	s2 =	sld [smem:$0x3FA6]  }
0x29: {  	s4 =	sld [smem:$0x3FA8]  }
0x2a: {  	p0 =	seq.s32 s5, $0x0;
	s5 =	sld [smem:$0x3FA9]  }
0x2b: {  	s6 =	sld [smem:$0x3FAA]  }
0x2c: {  	s7 =	sld [smem:$0x3FAB]  }
0x2d: {  	s3 =	simm.s32 $0x108;
	s8 =	sld [smem:$0x3FAC]  }
0x2e: {  	s3 =	simm.s32 @!p0 $0x1082;
	s9 =	sld [smem:$0x3FAD]  }
0x2f: {  	lr =	sadd.s32 s0, s3;
	s0 =	sld [smem:$0x3FA4]  }
0x30: {  	s3 =	sld [smem:$0x3FA7]  }
0x31: {  	[smem:$0x3FB0] =	sst s10  }
0x32: {  	s10 =	sld [smem:$0x3FAE];
	_ =	sdelay $0x3  }
0x33: {  	p0 =	seq.s32 s10, $0x1;
	s10 =	sld [smem:$0x3FB0];
	_ =	sdelay $0x3  }
0x34: {  	[smem:$0x3FB0] =	sst s10  }
0x35: {  	s10 =	sld [smem:$0x3FAF];
	_ =	sdelay $0x3  }
0x36: {  	p1 =	seq.s32 s10, $0x1;
	s10 =	sld [smem:$0x3FB0];
	_ =	sdelay $0x3  }
0x37: {  	[smem:$0x3FB0] =	sst s10  }
0x38: {  	s10 =	sld [smem:$0x3FB1]  }
0x39: {  	_ = 	snop;
	(pc) =	sbr.ind lr, $3  }
0x3a: {  	_ = 	snop  }
0x3b: {  	_ = 	snop  }
0x3c: {  	p2 =	seq.s32 s10, $0x1;
	s10 =	sld [smem:$0x3FB0]  }
0x3d: {  	_ =	shalt  }
0x3e: {  	_ =	shalt  }
0x3f: {  	_ =	shalt  }
0x40: {  	_ =	shalt  }
0x41: {  	_ =	shalt  }
0x42: {  	_ =	shalt  }
0x43: {  	_ =	shalt  }
0x44: {  	_ =	shalt  }
0x45: {  	_ =	shalt  }
0x46: {  	_ =	shalt  }
0x47: {  	_ =	shalt  }
0x48: {  	_ =	shalt  }
0x49: {  	_ =	shalt  }
0x4a: {  	_ =	shalt  }
0x4b: {  	_ =	shalt  }
0x4c: {  	_ =	shalt  }
0x4d: {  	_ =	shalt  }
0x4e: {  	_ =	shalt  }
0x4f: {  	_ =	shalt  }
0x50: {  	_ =	shalt  }
0x51: {  	_ =	shalt  }
0x52: {  	_ =	shalt  }
0x53: {  	_ =	shalt  }
0x54: {  	_ =	shalt  }
0x55: {  	_ =	shalt  }
0x56: {  	_ =	shalt  }
0x57: {  	_ =	shalt  }
0x58: {  	_ =	shalt  }
0x59: {  	_ =	shalt  }
0x5a: {  	_ =	shalt  }
0x5b: {  	_ =	shalt  }
0x5c: {  	_ =	shalt  }
0x5d: {  	_ =	shalt  }
0x5e: {  	_ =	shalt  }
0x5f: {  	_ =	shalt  }
0x60: {  	_ =	shalt  }
0x61: {  	_ =	shalt  }
0x62: {  	_ =	shalt  }
0x63: {  	_ =	shalt  }
0x64: {  	_ =	shalt  }
0x65: {  	_ =	shalt  }
0x66: {  	_ =	shalt  }
0x67: {  	_ =	shalt  }
0x68: {  	_ =	shalt  }
0x69: {  	_ =	shalt  }
0x6a: {  	_ =	shalt  }
0x6b: {  	_ =	shalt  }
0x6c: {  	_ =	shalt  }
0x6d: {  	_ =	shalt  }
0x6e: {  	_ =	shalt  }
0x6f: {  	_ =	shalt  }
0x70: {  	_ =	shalt  }
0x71: {  	_ =	shalt  }
0x72: {  	_ =	shalt  }
0x73: {  	_ =	shalt  }
0x74: {  	_ =	shalt  }
0x75: {  	_ =	shalt  }
0x76: {  	_ =	shalt  }
0x77: {  	_ =	shalt  }
0x78: {  	_ =	shalt  }
0x79: {  	_ =	shalt  }
0x7a: {  	_ =	shalt  }
0x7b: {  	_ =	shalt  }
0x7c: {  	_ =	shalt  }
0x7d: {  	_ =	shalt  }
0x7e: {  	_ =	shalt  }
0x7f: {  	_ =	shalt  }
0x80: {  	_ =	shalt  }
0x81: {  	_ =	shalt  }
0x82: {  	_ =	shalt  }
0x83: {  	_ =	shalt  }
0x84: {  	_ =	shalt  }
0x85: {  	_ =	shalt  }
0x86: {  	_ =	shalt  }
0x87: {  	_ =	shalt  }
.Lfunc_end0:
.L_simem_size_0:
called_computation_lowered:
.L_overlay_start_0:
0x88: {  	s2 =	sld [smem:$0x3FD9]  }
0x89: {  	s3 =	sld [smem:$0x3FFE];
	_ =	sdelay $0x1  }
0x8a: {  	s1 =	srdreg.scid  }
0x8b: {  	s0 =	sand.u32 $0x1, s1  }
0x8c: {  	s17 =	sshll.u32 s0, $0xA;
	s2 =	sadd.s32 s3, s2  }
0x8d: {  	s2 =	sadd.s32 s2, s17  }
0x8e: {  	[smem:$0x3FBC] =	sst s2  }
0x8f: {  	_ = 	snop  }
0x90: {  	s2 =	sld [smem:$0x3FD0];
	(tm) =	ssettm $0x1  }
0x91: {  	s18 =	sld [smem:$0x3FFB];
	_ =	sdelay $0x3  }
0x92: {  	_ =	strace s18  }
0x93: {  	s3 =	sld [smem:$0x3FFC];
	_ =	sdelay $0x3  }
0x94: {  	_ =	strace s3  }
0x95: {  	s3 =	sld [smem:$0x3FFD];
	_ =	sdelay $0x3  }
0x96: {  	_ =	strace s3  }
0x97: {  	_ =	strace $0x8FFFFFFF  }
0x98: {  	s19 =	sld [smem:$0x3FDB];
	_ =	sdelay $0x1  }
0x99: {  	s4 =	simm.s32 $_scs_section_size  }
0x9a: {  	s5 =	simm.s32 $_size__tile_overlayer_lowered;
	s6 =	simm.s32 $_tile_overlayer_lowered  }
0x9b: {  	s22 =	simm.s32 $0x1BFF;
	s21 =	sshll.u32 s6, $0x1;
	s3 =	sadd.s32 s4, s19  }
0x9c: {  	s7 =	simm.s32 $0x0;
	s20 =	sshll.u32 s5, $0x1;
	s5 =	sadd.s32 s21, s3  }
0x9d: {  	[timem:s7], [sflag:s22] =	dma.local [hbm:s5], s20  }
0x9e: {  	_ =	swait.ge [sflag:s22], s20  }
0x9f: {  	s4 =	ssub.s32 $0x0, s20;
	[sflag:s22] =	ssyncset.done $0x0  }
0xa0: {  	[sflag:s22] =	ssyncadd.s32 s4;
	_ =	sdelay $0x1  }
0xa1: {  	s23 =	simm.s32 $0x1B8B  }
0xa2: {  	_ =	swait.ge [sflag:s23], $0x1  }
0xa3: {  	[sflag:s23] =	ssyncset.done $0x0  }
0xa4: {  	s25 =	simm.s32 $0x1B8E;
	s24 =	sld [smem:$0x3FFE];
	[sflag:s23] =	ssyncadd.s32 $0xFFFFFFFF  }
0xa5: {  	s26 =	simm.s32 $execute0_lowered;
	[smem:$0x3FD2] =	sst s25  }
0xa6: {  	s5 =	sshll.u32 s26, $0x1;
	_ =	strace $0x80000046;
	[dreg:$0x1] =	wrdreg $0xFFFFFFFF  }
0xa7: {  	s28 =	simm.s32 $_size_execute0_lowered;
	s3 =	sadd.s32 s3, s5;
	[dreg:$0x0] =	wrdreg $0x0  }
0xa8: {  	s5 =	sshll.u32 s28, $0x1;
	[dreg:$0x2] =	wrdreg s3  }
0xa9: {  	[dreg:$0x3] =	wrdreg s5  }
0xaa: {  	[dreg:$0x4] =	wrdreg $0xC0  }
0xab: {  	_ =	task [dreg:s7], $0x5FFFF  }
0xac: {  	[dreg:$0x1] =	wrdreg $0xFFFFFFFF  }
0xad: {  	[dreg:$0x0] =	wrdreg $0x60  }
0xae: {  	[dreg:$0x2] =	wrdreg s2  }
0xaf: {  	[dreg:$0x3] =	wrdreg s24  }
0xb0: {  	[dreg:$0x4] =	wrdreg $0x9  }
0xb1: {  	_ =	task.clear_ibuf [dreg:s7], $0x5FFFF;
	_ =	strace $0x90000046  }
0xb2: {  	s29 =	simm.s32 $0x9;
	_ =	strace $0x80000048  }
0xb3: {  	_ =	swait.ge [sflag:s29], $0x1  }
0xb4: {  	[sflag:s29] =	ssyncadd.s32 $0xFFFFFFFF  }
0xb5: {  	_ =	strace $0x90000048  }
0xb6: {  	_ =	sfence  }
0xb7: {  	s30 =	sld [smem:$0x0];
	_ =	sdelay $0x2  }
0xb8: {  	s31 =	sshll.u32 s1, $0xD;
	s1 =	sshrl.u32 s1, $0x2  }
0xb9: {  	s3 =	sand.u32 $0x4000, s31;
	s1 =	sadd.s32 s1, s30  }
0xba: {  	s0 =	sor.u32 s3, s0;
	s1 =	sshll.u32 s1, $0x11  }
0xbb: {  	s0 =	sor.u32 s1, s0  }
0xbc: {  	s0 =	sadd.s32 $0x8F2B, s0  }
0xbd: {  	[sflag:s0] =	ssyncadd.remote.s32 $0x1  }
0xbe: {  	_ =	sfence.sel $0xFFFF  }
0xbf: {  	[dreg:$0x0] =	wrdreg $0xFFFFFFFF;
	(pc) =	sbr.abs _section_cstart, $3  }
0xc0: {  	[dreg:$0x1] =	wrdreg $0xFFFFFFFF  }
0xc1: {  	_ =	task.clear_ibuf [dreg:s7], $0x2FFFF;
	_ =	strace $0x9FFFFFFF  }
0xc2: {  	(tm) =	ssettm $0x7FFFFFFF  }
0xc3: {  	_ =	shalt  }
tec
execute0_lowered:
.L_overlay_start_1:
0x0: {  	(tag) =	ssettag $0x1  }
0x1: {  	s1 =	srdreg.scid  }
0x2: {  	s3 =	rddreg [dreg:$0x0];
	s0 =	stileid.u32;
	s26 =	sand.u32 $0x1, s1  }
0x3: {  	s25 =	rddreg [dreg:$0x1];
	s4 =	sshll.u32 s0, $0xA;
	s5 =	sshll.u32 s26, $0x9  }
0x4: {  	s2 =	simm.s32 $0x0;
	s1 =	rddreg [dreg:$0x2];
	s13 =	sor.u32 s5, s4  }
0x5: {  	[smem:$0x7FF] =	sst s2;
	s6 =	sshrl.u32 s13, $0x3  }
0x6: {  	_ =	strace $0x80000047;
	s4 =	sadd.s32 s3, s6;
	s3 =	simm.s32 $0x3  }
0x7: {  	[tilespmem:s2], [sflag:$0x3] =	stream.linear.gather [hbm4b:s4+s2], $0x200, $0x38;
	[tilespmem:$0x10600] =	vst v63  }
0x8: {  	_ =	swait.ge [sflag:s3], $0x200  }
0x9: {  	[sflag:s3] =	ssyncset.done $0x0  }
0xa: {  	s5 =	simm.s32 $0x200;
	[sflag:s3] =	ssyncadd.s32 $0xFFFFFE00  }
0xb: {  	[tilespmem:s5], [sflag:$0x3] =	stream.linear.gather [hbm4b:s4+s2], $0x200, $0x38;
	[tilespmem:$0x10600] =	vst v63  }
0xc: {  	_ =	swait.ge [sflag:s3], $0x200  }
0xd: {  	s6 =	sadd.s32 s6, s25;
	[sflag:s3] =	ssyncset.done $0x0  }
0xe: {  	s7 =	simm.s32 $0x400;
	s6 =	sadd.s32 $0x2E00, s6;
	[sflag:s3] =	ssyncadd.s32 $0xFFFFFE00  }
0xf: {  	[tilespmem:s7], [sflag:$0x3] =	stream.linear.gather [hbm4b:s6+s2], $0x200, $0x38;
	[tilespmem:$0x10600] =	vst v63  }
0x10: {  	_ =	swait.ge [sflag:s3], $0x200  }
0x11: {  	s9 =	simm.s32 $0x100;
	[sflag:s3] =	ssyncset.done $0x0  }
0x12: {  	s10 =	simm.s32 $0x600;
	s8 =	sadd.s32 $0x3E3600, s25;
	[sflag:s3] =	ssyncadd.s32 $0xFFFFFE00  }
0x13: {  	[tilespmem:s10], [sflag:$0x1] =	stream.indirect.gather [hbm4b:s8+s9], $0x80, s2, s9, $0xb8;
	[tilespmem:$0x10600] =	vst v63  }
0x14: {  	s11 =	simm.s32 $0x8600;
	s12 =	simm.s32 $0x1  }
0x15: {  	[tilespmem:s11], [sflag:$0x2] =	stream.indirect.gather [hbm4b:s8+s9], $0x80, s9, s9, $0xb8;
	[tilespmem:$0x10600] =	vst v63  }
0x16: {  	_ =	swait.ge [sflag:s12], $0x8000  }
0x17: {  	s16 =	sadd.s32 $0x8C3600, s25;
	s28 =	sshll.u32 s13, $0x4;
	[sflag:s12] =	ssyncset.done $0x0  }
0x18: {  	s13 =	sadd.s32 s16, s28;
	[sflag:s12] =	ssyncadd.s32 $0xFFFF8000  }
0x19: {  	[hbm4b:s13+s2] =	stream.linear.scatter [tilespmem:s10], [sflag:$0x3], $0x8000, $0x38;
	[tilespmem:$0x10600] =	vst v63  }
0x1a: {  	_ =	swait.ge [sflag:s3], $0x8000  }
0x1b: {  	[sflag:s3] =	ssyncset.done $0x0  }
0x1c: {  	s15 =	simm.s32 $0x2;
	s14 =	sadd.s32 $0x843600, s25;
	[sflag:s3] =	ssyncadd.s32 $0xFFFF8000  }
0x1d: {  	[tilespmem:s10], [sflag:$0x1] =	stream.indirect.gather [hbm4b:s14+s9], $0x80, s7, s9, $0xb8;
	[tilespmem:$0x10600] =	vst v63  }
0x1e: {  	_ =	swait.ge [sflag:s15], $0x8000  }
0x1f: {  	s29 =	sor.u32 $0x1000, s28;
	[sflag:s15] =	ssyncset.done $0x0  }
0x20: {  	s16 =	sadd.s32 s16, s29;
	[sflag:s15] =	ssyncadd.s32 $0xFFFF8000  }
0x21: {  	[hbm4b:s16+s2] =	stream.linear.scatter [tilespmem:s11], [sflag:$0x3], $0x8000, $0x38;
	[tilespmem:$0x10600] =	vst v63  }
0x22: {  	_ =	swait.ge [sflag:s3], $0x8000  }
0x23: {  	[sflag:s3] =	ssyncset.done $0x0  }
0x24: {  	s17 =	simm.s32 $0x500;
	[sflag:s3] =	ssyncadd.s32 $0xFFFF8000  }
0x25: {  	[tilespmem:s11], [sflag:$0x2] =	stream.indirect.gather [hbm4b:s14+s9], $0x80, s17, s9, $0xb8;
	[tilespmem:$0x10600] =	vst v63  }
0x26: {  	_ =	swait.ge [sflag:s12], $0x8000  }
0x27: {  	s20 =	sadd.s32 $0x903600, s25;
	[sflag:s12] =	ssyncset.done $0x0  }
0x28: {  	s18 =	sadd.s32 s20, s28;
	[sflag:s12] =	ssyncadd.s32 $0xFFFF8000  }
0x29: {  	[hbm4b:s18+s2] =	stream.linear.scatter [tilespmem:s10], [sflag:$0x3], $0x8000, $0x38;
	[tilespmem:$0x10600] =	vst v63  }
0x2a: {  	_ =	swait.ge [sflag:s3], $0x8000  }
0x2b: {  	[sflag:s3] =	ssyncset.done $0x0  }
0x2c: {  	s19 =	sadd.s32 $0x3600, s25;
	[sflag:s3] =	ssyncadd.s32 $0xFFFF8000  }
0x2d: {  	[tilespmem:s10], [sflag:$0x1] =	stream.indirect.gather [hbm4b:s19+s9], $0x80, s5, s9, $0xb8;
	[tilespmem:$0x10600] =	vst v63  }
0x2e: {  	_ =	swait.ge [sflag:s15], $0x8000  }
0x2f: {  	[sflag:s15] =	ssyncset.done $0x0  }
0x30: {  	s20 =	sadd.s32 s20, s29;
	[sflag:s15] =	ssyncadd.s32 $0xFFFF8000  }
0x31: {  	[hbm4b:s20+s2] =	stream.linear.scatter [tilespmem:s11], [sflag:$0x3], $0x8000, $0x38;
	[tilespmem:$0x10600] =	vst v63  }
0x32: {  	_ =	swait.ge [sflag:s3], $0x8000  }
0x33: {  	[sflag:s3] =	ssyncset.done $0x0  }
0x34: {  	s21 =	simm.s32 $0x300;
	[sflag:s3] =	ssyncadd.s32 $0xFFFF8000  }
0x35: {  	[tilespmem:s11], [sflag:$0x2] =	stream.indirect.gather [hbm4b:s19+s9], $0x80, s21, s9, $0xb8;
	[tilespmem:$0x10600] =	vst v63  }
0x36: {  	_ =	swait.ge [sflag:s12], $0x8000  }
0x37: {  	s24 =	sadd.s32 $0x943600, s25;
	[sflag:s12] =	ssyncset.done $0x0  }
0x38: {  	s22 =	sadd.s32 s24, s28;
	[sflag:s12] =	ssyncadd.s32 $0xFFFF8000  }
0x39: {  	[hbm4b:s22+s2] =	stream.linear.scatter [tilespmem:s10], [sflag:$0x3], $0x8000, $0x38;
	[tilespmem:$0x10600] =	vst v63  }
0x3a: {  	_ =	swait.ge [sflag:s3], $0x8000  }
0x3b: {  	[sflag:s3] =	ssyncset.done $0x0  }
0x3c: {  	s23 =	sadd.s32 $0x7C3600, s25;
	[sflag:s3] =	ssyncadd.s32 $0xFFFF8000  }
0x3d: {  	[tilespmem:s10], [sflag:$0x1] =	stream.indirect.gather [hbm4b:s23+s9], $0x80, s7, s9, $0xb8;
	[tilespmem:$0x10600] =	vst v63  }
0x3e: {  	_ =	swait.ge [sflag:s15], $0x8000  }
0x3f: {  	[sflag:s15] =	ssyncset.done $0x0  }
0x40: {  	s24 =	sadd.s32 s24, s29;
	[sflag:s15] =	ssyncadd.s32 $0xFFFF8000  }
0x41: {  	[hbm4b:s24+s2] =	stream.linear.scatter [tilespmem:s11], [sflag:$0x3], $0x8000, $0x38;
	[tilespmem:$0x10600] =	vst v63  }
0x42: {  	_ =	swait.ge [sflag:s3], $0x8000  }
0x43: {  	[sflag:s3] =	ssyncset.done $0x0  }
0x44: {  	[sflag:s3] =	ssyncadd.s32 $0xFFFF8000  }
0x45: {  	[tilespmem:s11], [sflag:$0x2] =	stream.indirect.gather [hbm4b:s23+s9], $0x80, s17, s9, $0xb8;
	[tilespmem:$0x10600] =	vst v63  }
0x46: {  	_ =	swait.ge [sflag:s12], $0x8000  }
0x47: {  	s30 =	sadd.s32 $0x983600, s25;
	[sflag:s12] =	ssyncset.done $0x0  }
0x48: {  	s26 =	ssub.s32 $0x2, s26;
	s25 =	sadd.s32 s30, s28;
	[sflag:s12] =	ssyncadd.s32 $0xFFFF8000  }
0x49: {  	[hbm4b:s25+s2] =	stream.linear.scatter [tilespmem:s10], [sflag:$0x3], $0x8000, $0x38;
	[tilespmem:$0x10600] =	vst v63  }
0x4a: {  	s28 =	sshrl.u32 s26, $0x1;
	_ =	swait.ge [sflag:s3], $0x8000  }
0x4b: {  	s28 =	ssub.s32 s26, s28;
	[sflag:s3] =	ssyncset.done $0x0  }
0x4c: {  	s28 =	smax.u32 s28, $0x1;
	[sflag:s3] =	ssyncadd.s32 $0xFFFF8000  }
0x4d: {  	p0 =	sne.s32 s28, $0x1;
	_ =	swait.ge [sflag:s15], $0x8000  }
.Ltmp0:
0x4e: {  	[sflag:s15] =	ssyncset.done $0x0;
	(pc) =	sbr.rel @!p0 .LBB2_2-.Ltmp0, $4  }
0x4f: {  	s26 =	sadd.s32 s30, s29;
	[sflag:s15] =	ssyncadd.s32 $0xFFFF8000  }
0x50: {  	[hbm4b:s26+s2] =	stream.linear.scatter [tilespmem:s11], [sflag:$0x3], $0x8000, $0x38;
	[tilespmem:$0x10600] =	vst v63  }
0x51: {  	_ =	swait.ge [sflag:s3], $0x8000  }
0x52: {  	s28 =	sadd.s32 $0xFFFFFFFF, s28;
	[sflag:s3] =	ssyncset.done $0x0  }
.LBB2_1:
0x53: {  	p0 =	sne.s32 s28, $0x1;
	s28 =	sadd.s32 $0xFFFFFFFF, s28;
	[sflag:s3] =	ssyncadd.s32 $0xFFFF8000  }
0x54: {  	[tilespmem:s2], [sflag:$0x3] =	stream.linear.gather [hbm4b:s4+s2], $0x200, $0x38;
	[tilespmem:$0x10600] =	vst v63  }
0x55: {  	_ =	swait.ge [sflag:s3], $0x200  }
0x56: {  	[sflag:s3] =	ssyncset.done $0x0  }
0x57: {  	[sflag:s3] =	ssyncadd.s32 $0xFFFFFE00  }
0x58: {  	[tilespmem:s5], [sflag:$0x3] =	stream.linear.gather [hbm4b:s4+s2], $0x200, $0x38;
	[tilespmem:$0x10600] =	vst v63  }
0x59: {  	_ =	swait.ge [sflag:s3], $0x200  }
0x5a: {  	[sflag:s3] =	ssyncset.done $0x0  }
0x5b: {  	[sflag:s3] =	ssyncadd.s32 $0xFFFFFE00  }
0x5c: {  	[tilespmem:s7], [sflag:$0x3] =	stream.linear.gather [hbm4b:s6+s2], $0x200, $0x38;
	[tilespmem:$0x10600] =	vst v63  }
0x5d: {  	_ =	swait.ge [sflag:s3], $0x200  }
0x5e: {  	[sflag:s3] =	ssyncset.done $0x0  }
0x5f: {  	[sflag:s3] =	ssyncadd.s32 $0xFFFFFE00  }
0x60: {  	[tilespmem:s10], [sflag:$0x1] =	stream.indirect.gather [hbm4b:s8+s9], $0x80, s2, s9, $0xb8;
	[tilespmem:$0x10600] =	vst v63  }
0x61: {  	_ = 	snop  }
0x62: {  	[tilespmem:s11], [sflag:$0x2] =	stream.indirect.gather [hbm4b:s8+s9], $0x80, s9, s9, $0xb8;
	[tilespmem:$0x10600] =	vst v63  }
0x63: {  	_ =	swait.ge [sflag:s12], $0x8000  }
0x64: {  	[sflag:s12] =	ssyncset.done $0x0  }
0x65: {  	[sflag:s12] =	ssyncadd.s32 $0xFFFF8000  }
0x66: {  	[hbm4b:s13+s2] =	stream.linear.scatter [tilespmem:s10], [sflag:$0x3], $0x8000, $0x38;
	[tilespmem:$0x10600] =	vst v63  }
0x67: {  	_ =	swait.ge [sflag:s3], $0x8000  }
0x68: {  	[sflag:s3] =	ssyncset.done $0x0  }
0x69: {  	[sflag:s3] =	ssyncadd.s32 $0xFFFF8000  }
0x6a: {  	[tilespmem:s10], [sflag:$0x1] =	stream.indirect.gather [hbm4b:s14+s9], $0x80, s7, s9, $0xb8;
	[tilespmem:$0x10600] =	vst v63  }
0x6b: {  	_ =	swait.ge [sflag:s15], $0x8000  }
0x6c: {  	[sflag:s15] =	ssyncset.done $0x0  }
0x6d: {  	[sflag:s15] =	ssyncadd.s32 $0xFFFF8000  }
0x6e: {  	[hbm4b:s16+s2] =	stream.linear.scatter [tilespmem:s11], [sflag:$0x3], $0x8000, $0x38;
	[tilespmem:$0x10600] =	vst v63  }
0x6f: {  	_ =	swait.ge [sflag:s3], $0x8000  }
0x70: {  	[sflag:s3] =	ssyncset.done $0x0  }
0x71: {  	[sflag:s3] =	ssyncadd.s32 $0xFFFF8000  }
0x72: {  	[tilespmem:s11], [sflag:$0x2] =	stream.indirect.gather [hbm4b:s14+s9], $0x80, s17, s9, $0xb8;
	[tilespmem:$0x10600] =	vst v63  }
0x73: {  	_ =	swait.ge [sflag:s12], $0x8000  }
0x74: {  	[sflag:s12] =	ssyncset.done $0x0  }
0x75: {  	[sflag:s12] =	ssyncadd.s32 $0xFFFF8000  }
0x76: {  	[hbm4b:s18+s2] =	stream.linear.scatter [tilespmem:s10], [sflag:$0x3], $0x8000, $0x38;
	[tilespmem:$0x10600] =	vst v63  }
0x77: {  	_ =	swait.ge [sflag:s3], $0x8000  }
0x78: {  	[sflag:s3] =	ssyncset.done $0x0  }
0x79: {  	[sflag:s3] =	ssyncadd.s32 $0xFFFF8000  }
0x7a: {  	[tilespmem:s10], [sflag:$0x1] =	stream.indirect.gather [hbm4b:s19+s9], $0x80, s5, s9, $0xb8;
	[tilespmem:$0x10600] =	vst v63  }
0x7b: {  	_ =	swait.ge [sflag:s15], $0x8000  }
0x7c: {  	[sflag:s15] =	ssyncset.done $0x0  }
0x7d: {  	[sflag:s15] =	ssyncadd.s32 $0xFFFF8000  }
0x7e: {  	[hbm4b:s20+s2] =	stream.linear.scatter [tilespmem:s11], [sflag:$0x3], $0x8000, $0x38;
	[tilespmem:$0x10600] =	vst v63  }
0x7f: {  	_ =	swait.ge [sflag:s3], $0x8000  }
0x80: {  	[sflag:s3] =	ssyncset.done $0x0  }
0x81: {  	[sflag:s3] =	ssyncadd.s32 $0xFFFF8000  }
0x82: {  	[tilespmem:s11], [sflag:$0x2] =	stream.indirect.gather [hbm4b:s19+s9], $0x80, s21, s9, $0xb8;
	[tilespmem:$0x10600] =	vst v63  }
0x83: {  	_ =	swait.ge [sflag:s12], $0x8000  }
0x84: {  	[sflag:s12] =	ssyncset.done $0x0  }
0x85: {  	[sflag:s12] =	ssyncadd.s32 $0xFFFF8000  }
0x86: {  	[hbm4b:s22+s2] =	stream.linear.scatter [tilespmem:s10], [sflag:$0x3], $0x8000, $0x38;
	[tilespmem:$0x10600] =	vst v63  }
0x87: {  	_ =	swait.ge [sflag:s3], $0x8000  }
0x88: {  	[sflag:s3] =	ssyncset.done $0x0  }
0x89: {  	[sflag:s3] =	ssyncadd.s32 $0xFFFF8000  }
0x8a: {  	[tilespmem:s10], [sflag:$0x1] =	stream.indirect.gather [hbm4b:s23+s9], $0x80, s7, s9, $0xb8;
	[tilespmem:$0x10600] =	vst v63  }
0x8b: {  	_ =	swait.ge [sflag:s15], $0x8000  }
0x8c: {  	[sflag:s15] =	ssyncset.done $0x0  }
0x8d: {  	[sflag:s15] =	ssyncadd.s32 $0xFFFF8000  }
0x8e: {  	[hbm4b:s24+s2] =	stream.linear.scatter [tilespmem:s11], [sflag:$0x3], $0x8000, $0x38;
	[tilespmem:$0x10600] =	vst v63  }
0x8f: {  	_ =	swait.ge [sflag:s3], $0x8000  }
0x90: {  	[sflag:s3] =	ssyncset.done $0x0  }
0x91: {  	[sflag:s3] =	ssyncadd.s32 $0xFFFF8000  }
0x92: {  	[tilespmem:s11], [sflag:$0x2] =	stream.indirect.gather [hbm4b:s23+s9], $0x80, s17, s9, $0xb8;
	[tilespmem:$0x10600] =	vst v63  }
0x93: {  	_ =	swait.ge [sflag:s12], $0x8000  }
0x94: {  	[sflag:s12] =	ssyncset.done $0x0  }
0x95: {  	[sflag:s12] =	ssyncadd.s32 $0xFFFF8000  }
0x96: {  	[hbm4b:s25+s2] =	stream.linear.scatter [tilespmem:s10], [sflag:$0x3], $0x8000, $0x38;
	[tilespmem:$0x10600] =	vst v63  }
0x97: {  	_ =	swait.ge [sflag:s3], $0x8000  }
0x98: {  	[sflag:s3] =	ssyncset.done $0x0  }
0x99: {  	[sflag:s3] =	ssyncadd.s32 $0xFFFF8000  }
0x9a: {  	_ =	swait.ge [sflag:s15], $0x8000  }
.Ltmp1:
0x9b: {  	[sflag:s15] =	ssyncset.done $0x0;
	(pc) =	sbr.rel @p0 .LBB2_1-.Ltmp1, $4  }
0x9c: {  	[sflag:s15] =	ssyncadd.s32 $0xFFFF8000  }
0x9d: {  	[hbm4b:s26+s2] =	stream.linear.scatter [tilespmem:s11], [sflag:$0x3], $0x8000, $0x38;
	[tilespmem:$0x10600] =	vst v63  }
0x9e: {  	_ =	swait.ge [sflag:s3], $0x8000  }
0x9f: {  	[sflag:s3] =	ssyncset.done $0x0  }
.LBB2_2:
0xa0: {  	[sflag:s3] =	ssyncadd.s32 $0xFFFF8000  }
0xa1: {  	_ =	sfence.sel $0x180000  }
0xa2: {  	[bflag:$0x0] =	sbarrier.arrive $0xFFFF  }
0xa3: {  	p0 =	sne.s32 s0, $0x0;
	_ =	strace $0x90000047  }
0xa4: {  	s0 =	sadd.s32 @!p0 $0x100000, s1;
	[bflag:$0x2] =	sbarrier.arrive $0xFFFF  }
0xa5: {  	[sflag:s0] =	ssyncadd.tile.s32 @!p0 $0x1;
	_ =	shalt  }
.Lfunc_end2:
_tile_overlayer_lowered:
.L_overlay_start_2:
0xa6: {  	(tag) =	ssettag $0x2  }
0xa7: {  	s0 =	rddreg [dreg:$0x0];
	s2 =	stileid.u32  }
0xa8: {  	s1 =	rddreg [dreg:$0x1];
	p0 =	sne.s32 s2, $0x0  }
0xa9: {  	s3 =	rddreg [dreg:$0x2];
	[bflag:$0x3] =	sbarrier.arrive $0xFFFF;
	s2 =	simm.s32 @!p0 $0x1C03  }
0xaa: {  	[timem:s3], [sflag:s2] =	dma.local @!p0 [hbm:s0], s1  }
0xab: {  	s0 =	simm.s32 @!p0 $0x3  }
0xac: {  	_ =	swait.ge @!p0 [sflag:s0], s1  }
0xad: {  	s1 =	ssub.s32 @!p0 $0x0, s1;
	[sflag:s0] =	ssyncset.done @!p0 $0x0  }
0xae: {  	[sflag:s0] =	ssyncadd.s32 @!p0 s1  }
0xaf: {  	[bflag:$0x3] =	sbarrier.arrive $0xFFFF  }
0xb0: {  	_ =	shalt  }

</sc_bundles>
